<compile_context>
chip_gen: v7x
topology: tpu7x:2x2x1
jax: 0.10.2.dev20260603
libtpu: 0.0.44.dev20260713+nightly
codegen_flags: <defaults>
</compile_context>

<pallas_src>
import functools

import jax
import jax.numpy as jnp
from jax import lax
from jax.experimental import pallas as pl
from jax.experimental.pallas import tpu as pltpu
from jax.experimental.pallas import tpu_sc as plsc

VOCAB = 100000
D = 64
B = 4096
L = 50
ROWS = B * L
NC = 2
NS = 16
NW = NC * NS
WPA = NW // 2
ROWS_PER_W = ROWS // WPA
BLK = 128
NBLK = 5
CHUNK = BLK * NBLK
NCHUNKS = ROWS_PER_W // CHUNK
NBUF = 2

_mesh = plsc.VectorSubcoreMesh(core_axis_name="c", subcore_axis_name="s")


@functools.partial(
    pl.kernel,
    mesh=_mesh,
    out_type=(
        jax.ShapeDtypeStruct((ROWS, D), jnp.float32),
        jax.ShapeDtypeStruct((ROWS, D), jnp.float32),
    ),
    compiler_params=pltpu.CompilerParams(use_tc_tiling_on_sc=False),
    scratch_types=[
        pltpu.VMEM((CHUNK,), jnp.int32),
        pltpu.VMEM((CHUNK,), jnp.int32),
        pltpu.VMEM((CHUNK, D), jnp.float32),
        pltpu.VMEM((CHUNK, D), jnp.float32),
        pltpu.SemaphoreType.DMA,
        pltpu.SemaphoreType.DMA,
        pltpu.SemaphoreType.DMA,
        pltpu.SemaphoreType.DMA,
        pltpu.SemaphoreType.DMA,
        pltpu.SemaphoreType.DMA,
    ],
)
def _gather_rows(t_idx_hbm, d_idx_hbm, table_hbm, t_out_hbm, d_out_hbm,
                 idx_v0, idx_v1, rows_v0, rows_v1,
                 sem_i0, sem_i1, sem_g0, sem_g1, sem_o0, sem_o1):
    idx_v = (idx_v0, idx_v1)
    rows_v = (rows_v0, rows_v1)
    sem_i = (sem_i0, sem_i1)
    sem_g = (sem_g0, sem_g1)
    sem_o = (sem_o0, sem_o1)

    wid = lax.axis_index("s") * NC + lax.axis_index("c")

    def run_half(idx_hbm, out_hbm, lwid):
        base = lwid * ROWS_PER_W

        def start_idx(c, b):
            off = pl.multiple_of(base + c * CHUNK, CHUNK)
            pltpu.make_async_copy(
                idx_hbm.at[pl.ds(off, CHUNK)], idx_v[b], sem_i[b]
            ).start()

        def wait_idx(b):
            pltpu.make_async_copy(
                idx_hbm.at[pl.ds(0, CHUNK)], idx_v[b], sem_i[b]
            ).wait()

        def start_gathers(b):
            for j in range(NBLK):
                pltpu.make_async_copy(
                    table_hbm.at[idx_v[b].at[pl.ds(j * BLK, BLK)]],
                    rows_v[b].at[pl.ds(j * BLK, BLK)],
                    sem_g[b],
                ).start()

        def wait_gathers(b):
            for j in range(NBLK):
                pltpu.make_async_copy(
                    table_hbm.at[idx_v[b].at[pl.ds(j * BLK, BLK)]],
                    rows_v[b].at[pl.ds(j * BLK, BLK)],
                    sem_g[b],
                ).wait()

        def start_out(c, b):
            off = pl.multiple_of(base + c * CHUNK, CHUNK)
            pltpu.make_async_copy(
                rows_v[b], out_hbm.at[pl.ds(off, CHUNK)], sem_o[b]
            ).start()

        def wait_out(b):
            pltpu.make_async_copy(
                rows_v[b], out_hbm.at[pl.ds(0, CHUNK)], sem_o[b]
            ).wait()

        for b in range(NBUF):
            start_idx(b, b)

        def outer(i, _):
            c0 = i * NBUF
            for b in range(NBUF):
                c = c0 + b
                @pl.when(c >= NBUF)
                def _():
                    wait_out(b)

                wait_idx(b)
                start_gathers(b)
                wait_gathers(b)
                start_out(c, b)

                @pl.when(c + NBUF < NCHUNKS)
                def _():
                    start_idx(c + NBUF, b)

            return ()

        lax.fori_loop(0, NCHUNKS // NBUF, outer, ())

        for b in range(NBUF):
            wait_out(b)

    @pl.when(wid < WPA)
    def _():
        run_half(t_idx_hbm, t_out_hbm, wid)

    @pl.when(wid >= WPA)
    def _():
        run_half(d_idx_hbm, d_out_hbm, wid - WPA)


def kernel(embedding_matrix, title_ids, desc_ids):
    t_idx = jnp.transpose(title_ids).reshape(-1).astype(jnp.int32)
    d_idx = jnp.transpose(desc_ids).reshape(-1).astype(jnp.int32)
    t_out, d_out = _gather_rows(t_idx, d_idx, embedding_matrix)
    return (t_out.reshape(L, B, D), d_out.reshape(L, B, D))

# --- scband reference (transcript-rebuilt; emitter-appended) ---
"""Pipeline reference for scband-attribute-embedding-77043123356295 (READ-ONLY COPY).

The authoritative reference and input builder live on the scoring server;
editing this copy changes nothing except your own understanding.
"""

import jax, jax.numpy as jnp
import numpy as np

VOCAB = 100000
EMBED_DIM = 64
BATCH = 4096
HIST = 50

def setup_inputs(seed: int = 0) -> dict:
    key = jax.random.key(seed)
    k1, k2, k3 = jax.random.split(key, 3)
    title_ids = jax.random.randint(k1, (BATCH, HIST), 0, VOCAB, dtype=jnp.int64 if jax.config.jax_enable_x64 else jnp.int32)
    desc_ids = jax.random.randint(k2, (BATCH, HIST), 0, VOCAB, dtype=jnp.int64 if jax.config.jax_enable_x64 else jnp.int32)
    embedding_matrix = jax.random.normal(k3, (VOCAB, EMBED_DIM), dtype=jnp.float32)
    return {"embedding_matrix": embedding_matrix, "title_ids": title_ids, "desc_ids": desc_ids}

def reference(embedding_matrix, title_ids, desc_ids):
    # original: {x: self.embedding(batch[x]).permute(1, 0, 2) for x in text_attributes}
    # embedding lookup = gather rows, then permute (B, L, D) -> (L, B, D)
    title_emb = jnp.transpose(jnp.take(embedding_matrix, title_ids, axis=0), (1, 0, 2))
    desc_emb = jnp.transpose(jnp.take(embedding_matrix, desc_ids, axis=0), (1, 0, 2))
    # dict in torch; return as tuple ordered by text_attributes
    return (title_emb, desc_emb)

if __name__ == "__main__":
    import jax
    _d = setup_inputs()
    print(jax.jit(kernel)(*tuple(_d.values())))

</pallas_src>

<mosaic_0001>
#map = affine_map<(d0, d1) -> (0)>
#map1 = affine_map<(d0, d1) -> (0, 0)>
module attributes {stable_mosaic.version = 14 : i64} {
  func.func @_gather_rows(%arg0: i32, %arg1: i32, %arg2: memref<204800xi32, #tpu.memory_space<hbm>>, %arg3: memref<204800xi32, #tpu.memory_space<hbm>>, %arg4: memref<100000x64xf32, #tpu.memory_space<hbm>>, %arg5: memref<204800x64xf32, #tpu.memory_space<hbm>>, %arg6: memref<204800x64xf32, #tpu.memory_space<hbm>>, %arg7: memref<640xi32, #tpu.memory_space<vmem>>, %arg8: memref<640xi32, #tpu.memory_space<vmem>>, %arg9: memref<640x64xf32, #tpu.memory_space<vmem>>, %arg10: memref<640x64xf32, #tpu.memory_space<vmem>>, %arg11: memref<!tpu.dma_semaphore, #tpu.memory_space<semaphore_mem>>, %arg12: memref<!tpu.dma_semaphore, #tpu.memory_space<semaphore_mem>>, %arg13: memref<!tpu.dma_semaphore, #tpu.memory_space<semaphore_mem>>, %arg14: memref<!tpu.dma_semaphore, #tpu.memory_space<semaphore_mem>>, %arg15: memref<!tpu.dma_semaphore, #tpu.memory_space<semaphore_mem>>, %arg16: memref<!tpu.dma_semaphore, #tpu.memory_space<semaphore_mem>>) attributes {dimension_semantics = [#tpu.dimension_semantics<core_parallel>, #tpu.dimension_semantics<subcore_parallel>], iteration_bounds = array<i64: 2, 16>, scalar_prefetch = 0 : i64, scratch_operands = 10 : i64, tpu.core_type = #tpu.core_type<sc_vector_subcore>, window_params = [{transform_indices = #map}, {transform_indices = #map}, {transform_indices = #map1}, {transform_indices = #map1}, {transform_indices = #map1}]} {
    %mul3A = arith.constant 2 : i32
    %mul3A_0 = arith.muli %arg1, %mul3A : i32
    %add3A = arith.addi %mul3A_0, %arg0 : i32
    %lt3A = arith.constant 16 : i32
    %lt3A_1 = arith.cmpi slt, %add3A, %lt3A : i32
    %convert_element_type3A = arith.extui %lt3A_1 : i1 to i32
    %cond3A = arith.constant 0 : i32
    %cond3A_2 = arith.cmpi ne, %convert_element_type3A, %cond3A : i32
    scf.if %cond3A_2 {
      %mul3A_7 = arith.constant 12800 : i32
      %mul3A_8 = arith.muli %add3A, %mul3A_7 : i32
      %add3A_9 = arith.constant 0 : i32
      %add3A_10 = arith.addi %mul3A_8, %add3A_9 : i32
      %multiple_of3A = tpu.assume_multiple %add3A_10, 640 : i32
      %dma_start3A = tpu.memref_slice %arg2[%multiple_of3A] : memref<204800xi32, #tpu.memory_space<hbm>> -> memref<640xi32, #tpu.memory_space<hbm>>
      %dma_start3A_11 = tpu.memref_slice %arg2[%multiple_of3A] : memref<204800xi32, #tpu.memory_space<hbm>> -> memref<640xi32, #tpu.memory_space<hbm>>
      tpu.enqueue_dma source(%dma_start3A_11 : memref<640xi32, #tpu.memory_space<hbm>>) target(%arg7 : memref<640xi32, #tpu.memory_space<vmem>>) target_semaphore(%arg11 : memref<!tpu.dma_semaphore, #tpu.memory_space<semaphore_mem>>)
      %add3A_12 = arith.constant 640 : i32
      %add3A_13 = arith.addi %mul3A_8, %add3A_12 : i32
      %multiple_of3A_14 = tpu.assume_multiple %add3A_13, 640 : i32
      %dma_start3A_15 = tpu.memref_slice %arg2[%multiple_of3A_14] : memref<204800xi32, #tpu.memory_space<hbm>> -> memref<640xi32, #tpu.memory_space<hbm>>
      %dma_start3A_16 = tpu.memref_slice %arg2[%multiple_of3A_14] : memref<204800xi32, #tpu.memory_space<hbm>> -> memref<640xi32, #tpu.memory_space<hbm>>
      tpu.enqueue_dma source(%dma_start3A_16 : memref<640xi32, #tpu.memory_space<hbm>>) target(%arg8 : memref<640xi32, #tpu.memory_space<vmem>>) target_semaphore(%arg12 : memref<!tpu.dma_semaphore, #tpu.memory_space<semaphore_mem>>)
      %scan3A = arith.constant 0 : i32
      %scan3A_17 = arith.constant 10 : i32
      %scan3A_18 = arith.addi %scan3A, %scan3A_17 : i32
      %scan3A_19 = arith.constant 1 : i32
      scf.for %scan3A_32 = %scan3A to %scan3A_18 step %scan3A_19  : i32 {
        %mul3A_33 = arith.constant 2 : i32
        %mul3A_34 = arith.muli %scan3A_32, %mul3A_33 : i32
        %add3A_35 = arith.constant 0 : i32
        %add3A_36 = arith.addi %mul3A_34, %add3A_35 : i32
        %ge3A_37 = arith.constant 2 : i32
        %ge3A_38 = arith.cmpi sge, %add3A_36, %ge3A_37 : i32
        %convert_element_type3A_39 = arith.extui %ge3A_38 : i1 to i32
        %cond3A_40 = arith.constant 0 : i32
        %cond3A_41 = arith.cmpi ne, %convert_element_type3A_39, %cond3A_40 : i32
        scf.if %cond3A_41 {
          %dma_wait3A_247 = arith.constant 0 : i32
          %dma_wait3A_248 = arith.constant 0 : i32
          %dma_wait3A_249 = tpu.memref_slice %arg5[%dma_wait3A_247, %dma_wait3A_248] : memref<204800x64xf32, #tpu.memory_space<hbm>> -> memref<640x64xf32, #tpu.memory_space<hbm>>
          %dma_wait3A_250 = arith.constant 0 : i32
          %dma_wait3A_251 = arith.constant 0 : i32
          %dma_wait3A_252 = tpu.memref_slice %arg5[%dma_wait3A_250, %dma_wait3A_251] : memref<204800x64xf32, #tpu.memory_space<hbm>> -> memref<640x64xf32, #tpu.memory_space<hbm>>
          tpu.wait_dma2 semaphore(%arg15 : memref<!tpu.dma_semaphore, #tpu.memory_space<semaphore_mem>>) src(%arg9 : memref<640x64xf32, #tpu.memory_space<vmem>>) dst(%dma_wait3A_252 : memref<640x64xf32, #tpu.memory_space<hbm>>)
        } else {
        }
        %dma_wait3A_42 = arith.constant 0 : i32
        %dma_wait3A_43 = tpu.memref_slice %arg2[%dma_wait3A_42] : memref<204800xi32, #tpu.memory_space<hbm>> -> memref<640xi32, #tpu.memory_space<hbm>>
        %dma_wait3A_44 = arith.constant 0 : i32
        %dma_wait3A_45 = tpu.memref_slice %arg2[%dma_wait3A_44] : memref<204800xi32, #tpu.memory_space<hbm>> -> memref<640xi32, #tpu.memory_space<hbm>>
        tpu.wait_dma2 semaphore(%arg11 : memref<!tpu.dma_semaphore, #tpu.memory_space<semaphore_mem>>) src(%dma_wait3A_45 : memref<640xi32, #tpu.memory_space<hbm>>) dst(%arg7 : memref<640xi32, #tpu.memory_space<vmem>>)
        %dma_start3A_46 = arith.constant 0 : i32
        %dma_start3A_47 = arith.constant 0 : i32
        %dma_start3A_48 = tpu.memref_slice %arg9[%dma_start3A_46, %dma_start3A_47] : memref<640x64xf32, #tpu.memory_space<vmem>> -> memref<128x64xf32, #tpu.memory_space<vmem>>
        %dma_start3A_49 = arith.constant 0 : i32
        %dma_start3A_50 = tpu.memref_slice %arg7[%dma_start3A_49] : memref<640xi32, #tpu.memory_space<vmem>> -> memref<128xi32, #tpu.memory_space<vmem>>
        %dma_start3A_51 = arith.constant 0 : i32
        %dma_start3A_52 = arith.constant 0 : i32
        %dma_start3A_53 = tpu.memref_slice %arg4[%dma_start3A_51, %dma_start3A_52] : memref<100000x64xf32, #tpu.memory_space<hbm>> -> memref<100000x64xf32, #tpu.memory_space<hbm>>
        tpu.enqueue_indirect_dma source(%dma_start3A_53 : memref<100000x64xf32, #tpu.memory_space<hbm>>) target(%dma_start3A_48 : memref<128x64xf32, #tpu.memory_space<vmem>>) offsets(%dma_start3A_50 : memref<128xi32, #tpu.memory_space<vmem>>) semaphore(%arg13 : memref<!tpu.dma_semaphore, #tpu.memory_space<semaphore_mem>>)
        %dma_start3A_54 = arith.constant 128 : i32
        %dma_start3A_55 = arith.constant 0 : i32
        %dma_start3A_56 = tpu.memref_slice %arg9[%dma_start3A_54, %dma_start3A_55] : memref<640x64xf32, #tpu.memory_space<vmem>> -> memref<128x64xf32, #tpu.memory_space<vmem>>
        %dma_start3A_57 = arith.constant 128 : i32
        %dma_start3A_58 = tpu.memref_slice %arg7[%dma_start3A_57] : memref<640xi32, #tpu.memory_space<vmem>> -> memref<128xi32, #tpu.memory_space<vmem>>
        %dma_start3A_59 = arith.constant 0 : i32
        %dma_start3A_60 = arith.constant 0 : i32
        %dma_start3A_61 = tpu.memref_slice %arg4[%dma_start3A_59, %dma_start3A_60] : memref<100000x64xf32, #tpu.memory_space<hbm>> -> memref<100000x64xf32, #tpu.memory_space<hbm>>
        tpu.enqueue_indirect_dma source(%dma_start3A_61 : memref<100000x64xf32, #tpu.memory_space<hbm>>) target(%dma_start3A_56 : memref<128x64xf32, #tpu.memory_space<vmem>>) offsets(%dma_start3A_58 : memref<128xi32, #tpu.memory_space<vmem>>) semaphore(%arg13 : memref<!tpu.dma_semaphore, #tpu.memory_space<semaphore_mem>>)
        %dma_start3A_62 = arith.constant 256 : i32
        %dma_start3A_63 = arith.constant 0 : i32
        %dma_start3A_64 = tpu.memref_slice %arg9[%dma_start3A_62, %dma_start3A_63] : memref<640x64xf32, #tpu.memory_space<vmem>> -> memref<128x64xf32, #tpu.memory_space<vmem>>
        %dma_start3A_65 = arith.constant 256 : i32
        %dma_start3A_66 = tpu.memref_slice %arg7[%dma_start3A_65] : memref<640xi32, #tpu.memory_space<vmem>> -> memref<128xi32, #tpu.memory_space<vmem>>
        %dma_start3A_67 = arith.constant 0 : i32
        %dma_start3A_68 = arith.constant 0 : i32
        %dma_start3A_69 = tpu.memref_slice %arg4[%dma_start3A_67, %dma_start3A_68] : memref<100000x64xf32, #tpu.memory_space<hbm>> -> memref<100000x64xf32, #tpu.memory_space<hbm>>
        tpu.enqueue_indirect_dma source(%dma_start3A_69 : memref<100000x64xf32, #tpu.memory_space<hbm>>) target(%dma_start3A_64 : memref<128x64xf32, #tpu.memory_space<vmem>>) offsets(%dma_start3A_66 : memref<128xi32, #tpu.memory_space<vmem>>) semaphore(%arg13 : memref<!tpu.dma_semaphore, #tpu.memory_space<semaphore_mem>>)
        %dma_start3A_70 = arith.constant 384 : i32
        %dma_start3A_71 = arith.constant 0 : i32
        %dma_start3A_72 = tpu.memref_slice %arg9[%dma_start3A_70, %dma_start3A_71] : memref<640x64xf32, #tpu.memory_space<vmem>> -> memref<128x64xf32, #tpu.memory_space<vmem>>
        %dma_start3A_73 = arith.constant 384 : i32
        %dma_start3A_74 = tpu.memref_slice %arg7[%dma_start3A_73] : memref<640xi32, #tpu.memory_space<vmem>> -> memref<128xi32, #tpu.memory_space<vmem>>
        %dma_start3A_75 = arith.constant 0 : i32
        %dma_start3A_76 = arith.constant 0 : i32
        %dma_start3A_77 = tpu.memref_slice %arg4[%dma_start3A_75, %dma_start3A_76] : memref<100000x64xf32, #tpu.memory_space<hbm>> -> memref<100000x64xf32, #tpu.memory_space<hbm>>
        tpu.enqueue_indirect_dma source(%dma_start3A_77 : memref<100000x64xf32, #tpu.memory_space<hbm>>) target(%dma_start3A_72 : memref<128x64xf32, #tpu.memory_space<vmem>>) offsets(%dma_start3A_74 : memref<128xi32, #tpu.memory_space<vmem>>) semaphore(%arg13 : memref<!tpu.dma_semaphore, #tpu.memory_space<semaphore_mem>>)
        %dma_start3A_78 = arith.constant 512 : i32
        %dma_start3A_79 = arith.constant 0 : i32
        %dma_start3A_80 = tpu.memref_slice %arg9[%dma_start3A_78, %dma_start3A_79] : memref<640x64xf32, #tpu.memory_space<vmem>> -> memref<128x64xf32, #tpu.memory_space<vmem>>
        %dma_start3A_81 = arith.constant 512 : i32
        %dma_start3A_82 = tpu.memref_slice %arg7[%dma_start3A_81] : memref<640xi32, #tpu.memory_space<vmem>> -> memref<128xi32, #tpu.memory_space<vmem>>
        %dma_start3A_83 = arith.constant 0 : i32
        %dma_start3A_84 = arith.constant 0 : i32
        %dma_start3A_85 = tpu.memref_slice %arg4[%dma_start3A_83, %dma_start3A_84] : memref<100000x64xf32, #tpu.memory_space<hbm>> -> memref<100000x64xf32, #tpu.memory_space<hbm>>
        tpu.enqueue_indirect_dma source(%dma_start3A_85 : memref<100000x64xf32, #tpu.memory_space<hbm>>) target(%dma_start3A_80 : memref<128x64xf32, #tpu.memory_space<vmem>>) offsets(%dma_start3A_82 : memref<128xi32, #tpu.memory_space<vmem>>) semaphore(%arg13 : memref<!tpu.dma_semaphore, #tpu.memory_space<semaphore_mem>>)
        %dma_wait3A_86 = arith.constant 0 : i32
        %dma_wait3A_87 = arith.constant 0 : i32
        %dma_wait3A_88 = tpu.memref_slice %arg9[%dma_wait3A_86, %dma_wait3A_87] : memref<640x64xf32, #tpu.memory_space<vmem>> -> memref<128x64xf32, #tpu.memory_space<vmem>>
        %dma_wait3A_89 = arith.constant 0 : i32
        %dma_wait3A_90 = tpu.memref_slice %arg7[%dma_wait3A_89] : memref<640xi32, #tpu.memory_space<vmem>> -> memref<128xi32, #tpu.memory_space<vmem>>
        %dma_wait3A_91 = arith.constant 0 : i32
        %dma_wait3A_92 = arith.constant 0 : i32
        %dma_wait3A_93 = tpu.memref_slice %arg4[%dma_wait3A_91, %dma_wait3A_92] : memref<100000x64xf32, #tpu.memory_space<hbm>> -> memref<100000x64xf32, #tpu.memory_space<hbm>>
        tpu.wait_indirect_dma semaphore(%arg13 : memref<!tpu.dma_semaphore, #tpu.memory_space<semaphore_mem>>) src(%dma_wait3A_93 : memref<100000x64xf32, #tpu.memory_space<hbm>>) dst(%dma_wait3A_88 : memref<128x64xf32, #tpu.memory_space<vmem>>)
        %dma_wait3A_94 = arith.constant 128 : i32
        %dma_wait3A_95 = arith.constant 0 : i32
        %dma_wait3A_96 = tpu.memref_slice %arg9[%dma_wait3A_94, %dma_wait3A_95] : memref<640x64xf32, #tpu.memory_space<vmem>> -> memref<128x64xf32, #tpu.memory_space<vmem>>
        %dma_wait3A_97 = arith.constant 128 : i32
        %dma_wait3A_98 = tpu.memref_slice %arg7[%dma_wait3A_97] : memref<640xi32, #tpu.memory_space<vmem>> -> memref<128xi32, #tpu.memory_space<vmem>>
        %dma_wait3A_99 = arith.constant 0 : i32
        %dma_wait3A_100 = arith.constant 0 : i32
        %dma_wait3A_101 = tpu.memref_slice %arg4[%dma_wait3A_99, %dma_wait3A_100] : memref<100000x64xf32, #tpu.memory_space<hbm>> -> memref<100000x64xf32, #tpu.memory_space<hbm>>
        tpu.wait_indirect_dma semaphore(%arg13 : memref<!tpu.dma_semaphore, #tpu.memory_space<semaphore_mem>>) src(%dma_wait3A_101 : memref<100000x64xf32, #tpu.memory_space<hbm>>) dst(%dma_wait3A_96 : memref<128x64xf32, #tpu.memory_space<vmem>>)
        %dma_wait3A_102 = arith.constant 256 : i32
        %dma_wait3A_103 = arith.constant 0 : i32
        %dma_wait3A_104 = tpu.memref_slice %arg9[%dma_wait3A_102, %dma_wait3A_103] : memref<640x64xf32, #tpu.memory_space<vmem>> -> memref<128x64xf32, #tpu.memory_space<vmem>>
        %dma_wait3A_105 = arith.constant 256 : i32
        %dma_wait3A_106 = tpu.memref_slice %arg7[%dma_wait3A_105] : memref<640xi32, #tpu.memory_space<vmem>> -> memref<128xi32, #tpu.memory_space<vmem>>
        %dma_wait3A_107 = arith.constant 0 : i32
        %dma_wait3A_108 = arith.constant 0 : i32
        %dma_wait3A_109 = tpu.memref_slice %arg4[%dma_wait3A_107, %dma_wait3A_108] : memref<100000x64xf32, #tpu.memory_space<hbm>> -> memref<100000x64xf32, #tpu.memory_space<hbm>>
        tpu.wait_indirect_dma semaphore(%arg13 : memref<!tpu.dma_semaphore, #tpu.memory_space<semaphore_mem>>) src(%dma_wait3A_109 : memref<100000x64xf32, #tpu.memory_space<hbm>>) dst(%dma_wait3A_104 : memref<128x64xf32, #tpu.memory_space<vmem>>)
        %dma_wait3A_110 = arith.constant 384 : i32
        %dma_wait3A_111 = arith.constant 0 : i32
        %dma_wait3A_112 = tpu.memref_slice %arg9[%dma_wait3A_110, %dma_wait3A_111] : memref<640x64xf32, #tpu.memory_space<vmem>> -> memref<128x64xf32, #tpu.memory_space<vmem>>
        %dma_wait3A_113 = arith.constant 384 : i32
        %dma_wait3A_114 = tpu.memref_slice %arg7[%dma_wait3A_113] : memref<640xi32, #tpu.memory_space<vmem>> -> memref<128xi32, #tpu.memory_space<vmem>>
        %dma_wait3A_115 = arith.constant 0 : i32
        %dma_wait3A_116 = arith.constant 0 : i32
        %dma_wait3A_117 = tpu.memref_slice %arg4[%dma_wait3A_115, %dma_wait3A_116] : memref<100000x64xf32, #tpu.memory_space<hbm>> -> memref<100000x64xf32, #tpu.memory_space<hbm>>
        tpu.wait_indirect_dma semaphore(%arg13 : memref<!tpu.dma_semaphore, #tpu.memory_space<semaphore_mem>>) src(%dma_wait3A_117 : memref<100000x64xf32, #tpu.memory_space<hbm>>) dst(%dma_wait3A_112 : memref<128x64xf32, #tpu.memory_space<vmem>>)
        %dma_wait3A_118 = arith.constant 512 : i32
        %dma_wait3A_119 = arith.constant 0 : i32
        %dma_wait3A_120 = tpu.memref_slice %arg9[%dma_wait3A_118, %dma_wait3A_119] : memref<640x64xf32, #tpu.memory_space<vmem>> -> memref<128x64xf32, #tpu.memory_space<vmem>>
        %dma_wait3A_121 = arith.constant 512 : i32
        %dma_wait3A_122 = tpu.memref_slice %arg7[%dma_wait3A_121] : memref<640xi32, #tpu.memory_space<vmem>> -> memref<128xi32, #tpu.memory_space<vmem>>
        %dma_wait3A_123 = arith.constant 0 : i32
        %dma_wait3A_124 = arith.constant 0 : i32
        %dma_wait3A_125 = tpu.memref_slice %arg4[%dma_wait3A_123, %dma_wait3A_124] : memref<100000x64xf32, #tpu.memory_space<hbm>> -> memref<100000x64xf32, #tpu.memory_space<hbm>>
        tpu.wait_indirect_dma semaphore(%arg13 : memref<!tpu.dma_semaphore, #tpu.memory_space<semaphore_mem>>) src(%dma_wait3A_125 : memref<100000x64xf32, #tpu.memory_space<hbm>>) dst(%dma_wait3A_120 : memref<128x64xf32, #tpu.memory_space<vmem>>)
        %mul3A_126 = arith.constant 640 : i32
        %mul3A_127 = arith.muli %add3A_36, %mul3A_126 : i32
        %add3A_128 = arith.addi %mul3A_8, %mul3A_127 : i32
        %multiple_of3A_129 = tpu.assume_multiple %add3A_128, 640 : i32
        %dma_start3A_130 = arith.constant 0 : i32
        %dma_start3A_131 = tpu.memref_slice %arg5[%multiple_of3A_129, %dma_start3A_130] : memref<204800x64xf32, #tpu.memory_space<hbm>> -> memref<640x64xf32, #tpu.memory_space<hbm>>
        %dma_start3A_132 = arith.constant 0 : i32
        %dma_start3A_133 = tpu.memref_slice %arg5[%multiple_of3A_129, %dma_start3A_132] : memref<204800x64xf32, #tpu.memory_space<hbm>> -> memref<640x64xf32, #tpu.memory_space<hbm>>
        tpu.enqueue_dma source(%arg9 : memref<640x64xf32, #tpu.memory_space<vmem>>) target(%dma_start3A_133 : memref<640x64xf32, #tpu.memory_space<hbm>>) target_semaphore(%arg15 : memref<!tpu.dma_semaphore, #tpu.memory_space<semaphore_mem>>)
        %add3A_134 = arith.constant 2 : i32
        %add3A_135 = arith.addi %add3A_36, %add3A_134 : i32
        %lt3A_136 = arith.constant 20 : i32
        %lt3A_137 = arith.cmpi slt, %add3A_135, %lt3A_136 : i32
        %convert_element_type3A_138 = arith.extui %lt3A_137 : i1 to i32
        %cond3A_139 = arith.constant 0 : i32
        %cond3A_140 = arith.cmpi ne, %convert_element_type3A_138, %cond3A_139 : i32
        scf.if %cond3A_140 {
          %add3A_247 = arith.constant 2 : i32
          %add3A_248 = arith.addi %add3A_36, %add3A_247 : i32
          %mul3A_249 = arith.constant 640 : i32
          %mul3A_250 = arith.muli %add3A_248, %mul3A_249 : i32
          %add3A_251 = arith.addi %mul3A_8, %mul3A_250 : i32
          %multiple_of3A_252 = tpu.assume_multiple %add3A_251, 640 : i32
          %dma_start3A_253 = tpu.memref_slice %arg2[%multiple_of3A_252] : memref<204800xi32, #tpu.memory_space<hbm>> -> memref<640xi32, #tpu.memory_space<hbm>>
          %dma_start3A_254 = tpu.memref_slice %arg2[%multiple_of3A_252] : memref<204800xi32, #tpu.memory_space<hbm>> -> memref<640xi32, #tpu.memory_space<hbm>>
          tpu.enqueue_dma source(%dma_start3A_254 : memref<640xi32, #tpu.memory_space<hbm>>) target(%arg7 : memref<640xi32, #tpu.memory_space<vmem>>) target_semaphore(%arg11 : memref<!tpu.dma_semaphore, #tpu.memory_space<semaphore_mem>>)
        } else {
        }
        %add3A_141 = arith.constant 1 : i32
        %add3A_142 = arith.addi %mul3A_34, %add3A_141 : i32
        %ge3A_143 = arith.constant 2 : i32
        %ge3A_144 = arith.cmpi sge, %add3A_142, %ge3A_143 : i32
        %convert_element_type3A_145 = arith.extui %ge3A_144 : i1 to i32
        %cond3A_146 = arith.constant 0 : i32
        %cond3A_147 = arith.cmpi ne, %convert_element_type3A_145, %cond3A_146 : i32
        scf.if %cond3A_147 {
          %dma_wait3A_247 = arith.constant 0 : i32
          %dma_wait3A_248 = arith.constant 0 : i32
          %dma_wait3A_249 = tpu.memref_slice %arg5[%dma_wait3A_247, %dma_wait3A_248] : memref<204800x64xf32, #tpu.memory_space<hbm>> -> memref<640x64xf32, #tpu.memory_space<hbm>>
          %dma_wait3A_250 = arith.constant 0 : i32
          %dma_wait3A_251 = arith.constant 0 : i32
          %dma_wait3A_252 = tpu.memref_slice %arg5[%dma_wait3A_250, %dma_wait3A_251] : memref<204800x64xf32, #tpu.memory_space<hbm>> -> memref<640x64xf32, #tpu.memory_space<hbm>>
          tpu.wait_dma2 semaphore(%arg16 : memref<!tpu.dma_semaphore, #tpu.memory_space<semaphore_mem>>) src(%arg10 : memref<640x64xf32, #tpu.memory_space<vmem>>) dst(%dma_wait3A_252 : memref<640x64xf32, #tpu.memory_space<hbm>>)
        } else {
        }
        %dma_wait3A_148 = arith.constant 0 : i32
        %dma_wait3A_149 = tpu.memref_slice %arg2[%dma_wait3A_148] : memref<204800xi32, #tpu.memory_space<hbm>> -> memref<640xi32, #tpu.memory_space<hbm>>
        %dma_wait3A_150 = arith.constant 0 : i32
        %dma_wait3A_151 = tpu.memref_slice %arg2[%dma_wait3A_150] : memref<204800xi32, #tpu.memory_space<hbm>> -> memref<640xi32, #tpu.memory_space<hbm>>
        tpu.wait_dma2 semaphore(%arg12 : memref<!tpu.dma_semaphore, #tpu.memory_space<semaphore_mem>>) src(%dma_wait3A_151 : memref<640xi32, #tpu.memory_space<hbm>>) dst(%arg8 : memref<640xi32, #tpu.memory_space<vmem>>)
        %dma_start3A_152 = arith.constant 0 : i32
        %dma_start3A_153 = arith.constant 0 : i32
        %dma_start3A_154 = tpu.memref_slice %arg10[%dma_start3A_152, %dma_start3A_153] : memref<640x64xf32, #tpu.memory_space<vmem>> -> memref<128x64xf32, #tpu.memory_space<vmem>>
        %dma_start3A_155 = arith.constant 0 : i32
        %dma_start3A_156 = tpu.memref_slice %arg8[%dma_start3A_155] : memref<640xi32, #tpu.memory_space<vmem>> -> memref<128xi32, #tpu.memory_space<vmem>>
        %dma_start3A_157 = arith.constant 0 : i32
        %dma_start3A_158 = arith.constant 0 : i32
        %dma_start3A_159 = tpu.memref_slice %arg4[%dma_start3A_157, %dma_start3A_158] : memref<100000x64xf32, #tpu.memory_space<hbm>> -> memref<100000x64xf32, #tpu.memory_space<hbm>>
        tpu.enqueue_indirect_dma source(%dma_start3A_159 : memref<100000x64xf32, #tpu.memory_space<hbm>>) target(%dma_start3A_154 : memref<128x64xf32, #tpu.memory_space<vmem>>) offsets(%dma_start3A_156 : memref<128xi32, #tpu.memory_space<vmem>>) semaphore(%arg14 : memref<!tpu.dma_semaphore, #tpu.memory_space<semaphore_mem>>)
        %dma_start3A_160 = arith.constant 128 : i32
        %dma_start3A_161 = arith.constant 0 : i32
        %dma_start3A_162 = tpu.memref_slice %arg10[%dma_start3A_160, %dma_start3A_161] : memref<640x64xf32, #tpu.memory_space<vmem>> -> memref<128x64xf32, #tpu.memory_space<vmem>>
        %dma_start3A_163 = arith.constant 128 : i32
        %dma_start3A_164 = tpu.memref_slice %arg8[%dma_start3A_163] : memref<640xi32, #tpu.memory_space<vmem>> -> memref<128xi32, #tpu.memory_space<vmem>>
        %dma_start3A_165 = arith.constant 0 : i32
        %dma_start3A_166 = arith.constant 0 : i32
        %dma_start3A_167 = tpu.memref_slice %arg4[%dma_start3A_165, %dma_start3A_166] : memref<100000x64xf32, #tpu.memory_space<hbm>> -> memref<100000x64xf32, #tpu.memory_space<hbm>>
        tpu.enqueue_indirect_dma source(%dma_start3A_167 : memref<100000x64xf32, #tpu.memory_space<hbm>>) target(%dma_start3A_162 : memref<128x64xf32, #tpu.memory_space<vmem>>) offsets(%dma_start3A_164 : memref<128xi32, #tpu.memory_space<vmem>>) semaphore(%arg14 : memref<!tpu.dma_semaphore, #tpu.memory_space<semaphore_mem>>)
        %dma_start3A_168 = arith.constant 256 : i32
        %dma_start3A_169 = arith.constant 0 : i32
        %dma_start3A_170 = tpu.memref_slice %arg10[%dma_start3A_168, %dma_start3A_169] : memref<640x64xf32, #tpu.memory_space<vmem>> -> memref<128x64xf32, #tpu.memory_space<vmem>>
        %dma_start3A_171 = arith.constant 256 : i32
        %dma_start3A_172 = tpu.memref_slice %arg8[%dma_start3A_171] : memref<640xi32, #tpu.memory_space<vmem>> -> memref<128xi32, #tpu.memory_space<vmem>>
        %dma_start3A_173 = arith.constant 0 : i32
        %dma_start3A_174 = arith.constant 0 : i32
        %dma_start3A_175 = tpu.memref_slice %arg4[%dma_start3A_173, %dma_start3A_174] : memref<100000x64xf32, #tpu.memory_space<hbm>> -> memref<100000x64xf32, #tpu.memory_space<hbm>>
        tpu.enqueue_indirect_dma source(%dma_start3A_175 : memref<100000x64xf32, #tpu.memory_space<hbm>>) target(%dma_start3A_170 : memref<128x64xf32, #tpu.memory_space<vmem>>) offsets(%dma_start3A_172 : memref<128xi32, #tpu.memory_space<vmem>>) semaphore(%arg14 : memref<!tpu.dma_semaphore, #tpu.memory_space<semaphore_mem>>)
        %dma_start3A_176 = arith.constant 384 : i32
        %dma_start3A_177 = arith.constant 0 : i32
        %dma_start3A_178 = tpu.memref_slice %arg10[%dma_start3A_176, %dma_start3A_177] : memref<640x64xf32, #tpu.memory_space<vmem>> -> memref<128x64xf32, #tpu.memory_space<vmem>>
        %dma_start3A_179 = arith.constant 384 : i32
        %dma_start3A_180 = tpu.memref_slice %arg8[%dma_start3A_179] : memref<640xi32, #tpu.memory_space<vmem>> -> memref<128xi32, #tpu.memory_space<vmem>>
        %dma_start3A_181 = arith.constant 0 : i32
        %dma_start3A_182 = arith.constant 0 : i32
        %dma_start3A_183 = tpu.memref_slice %arg4[%dma_start3A_181, %dma_start3A_182] : memref<100000x64xf32, #tpu.memory_space<hbm>> -> memref<100000x64xf32, #tpu.memory_space<hbm>>
        tpu.enqueue_indirect_dma source(%dma_start3A_183 : memref<100000x64xf32, #tpu.memory_space<hbm>>) target(%dma_start3A_178 : memref<128x64xf32, #tpu.memory_space<vmem>>) offsets(%dma_start3A_180 : memref<128xi32, #tpu.memory_space<vmem>>) semaphore(%arg14 : memref<!tpu.dma_semaphore, #tpu.memory_space<semaphore_mem>>)
        %dma_start3A_184 = arith.constant 512 : i32
        %dma_start3A_185 = arith.constant 0 : i32
        %dma_start3A_186 = tpu.memref_slice %arg10[%dma_start3A_184, %dma_start3A_185] : memref<640x64xf32, #tpu.memory_space<vmem>> -> memref<128x64xf32, #tpu.memory_space<vmem>>
        %dma_start3A_187 = arith.constant 512 : i32
        %dma_start3A_188 = tpu.memref_slice %arg8[%dma_start3A_187] : memref<640xi32, #tpu.memory_space<vmem>> -> memref<128xi32, #tpu.memory_space<vmem>>
        %dma_start3A_189 = arith.constant 0 : i32
        %dma_start3A_190 = arith.constant 0 : i32
        %dma_start3A_191 = tpu.memref_slice %arg4[%dma_start3A_189, %dma_start3A_190] : memref<100000x64xf32, #tpu.memory_space<hbm>> -> memref<100000x64xf32, #tpu.memory_space<hbm>>
        tpu.enqueue_indirect_dma source(%dma_start3A_191 : memref<100000x64xf32, #tpu.memory_space<hbm>>) target(%dma_start3A_186 : memref<128x64xf32, #tpu.memory_space<vmem>>) offsets(%dma_start3A_188 : memref<128xi32, #tpu.memory_space<vmem>>) semaphore(%arg14 : memref<!tpu.dma_semaphore, #tpu.memory_space<semaphore_mem>>)
        %dma_wait3A_192 = arith.constant 0 : i32
        %dma_wait3A_193 = arith.constant 0 : i32
        %dma_wait3A_194 = tpu.memref_slice %arg10[%dma_wait3A_192, %dma_wait3A_193] : memref<640x64xf32, #tpu.memory_space<vmem>> -> memref<128x64xf32, #tpu.memory_space<vmem>>
        %dma_wait3A_195 = arith.constant 0 : i32
        %dma_wait3A_196 = tpu.memref_slice %arg8[%dma_wait3A_195] : memref<640xi32, #tpu.memory_space<vmem>> -> memref<128xi32, #tpu.memory_space<vmem>>
        %dma_wait3A_197 = arith.constant 0 : i32
        %dma_wait3A_198 = arith.constant 0 : i32
        %dma_wait3A_199 = tpu.memref_slice %arg4[%dma_wait3A_197, %dma_wait3A_198] : memref<100000x64xf32, #tpu.memory_space<hbm>> -> memref<100000x64xf32, #tpu.memory_space<hbm>>
        tpu.wait_indirect_dma semaphore(%arg14 : memref<!tpu.dma_semaphore, #tpu.memory_space<semaphore_mem>>) src(%dma_wait3A_199 : memref<100000x64xf32, #tpu.memory_space<hbm>>) dst(%dma_wait3A_194 : memref<128x64xf32, #tpu.memory_space<vmem>>)
        %dma_wait3A_200 = arith.constant 128 : i32
        %dma_wait3A_201 = arith.constant 0 : i32
        %dma_wait3A_202 = tpu.memref_slice %arg10[%dma_wait3A_200, %dma_wait3A_201] : memref<640x64xf32, #tpu.memory_space<vmem>> -> memref<128x64xf32, #tpu.memory_space<vmem>>
        %dma_wait3A_203 = arith.constant 128 : i32
        %dma_wait3A_204 = tpu.memref_slice %arg8[%dma_wait3A_203] : memref<640xi32, #tpu.memory_space<vmem>> -> memref<128xi32, #tpu.memory_space<vmem>>
        %dma_wait3A_205 = arith.constant 0 : i32
        %dma_wait3A_206 = arith.constant 0 : i32
        %dma_wait3A_207 = tpu.memref_slice %arg4[%dma_wait3A_205, %dma_wait3A_206] : memref<100000x64xf32, #tpu.memory_space<hbm>> -> memref<100000x64xf32, #tpu.memory_space<hbm>>
        tpu.wait_indirect_dma semaphore(%arg14 : memref<!tpu.dma_semaphore, #tpu.memory_space<semaphore_mem>>) src(%dma_wait3A_207 : memref<100000x64xf32, #tpu.memory_space<hbm>>) dst(%dma_wait3A_202 : memref<128x64xf32, #tpu.memory_space<vmem>>)
        %dma_wait3A_208 = arith.constant 256 : i32
        %dma_wait3A_209 = arith.constant 0 : i32
        %dma_wait3A_210 = tpu.memref_slice %arg10[%dma_wait3A_208, %dma_wait3A_209] : memref<640x64xf32, #tpu.memory_space<vmem>> -> memref<128x64xf32, #tpu.memory_space<vmem>>
        %dma_wait3A_211 = arith.constant 256 : i32
        %dma_wait3A_212 = tpu.memref_slice %arg8[%dma_wait3A_211] : memref<640xi32, #tpu.memory_space<vmem>> -> memref<128xi32, #tpu.memory_space<vmem>>
        %dma_wait3A_213 = arith.constant 0 : i32
        %dma_wait3A_214 = arith.constant 0 : i32
        %dma_wait3A_215 = tpu.memref_slice %arg4[%dma_wait3A_213, %dma_wait3A_214] : memref<100000x64xf32, #tpu.memory_space<hbm>> -> memref<100000x64xf32, #tpu.memory_space<hbm>>
        tpu.wait_indirect_dma semaphore(%arg14 : memref<!tpu.dma_semaphore, #tpu.memory_space<semaphore_mem>>) src(%dma_wait3A_215 : memref<100000x64xf32, #tpu.memory_space<hbm>>) dst(%dma_wait3A_210 : memref<128x64xf32, #tpu.memory_space<vmem>>)
        %dma_wait3A_216 = arith.constant 384 : i32
        %dma_wait3A_217 = arith.constant 0 : i32
        %dma_wait3A_218 = tpu.memref_slice %arg10[%dma_wait3A_216, %dma_wait3A_217] : memref<640x64xf32, #tpu.memory_space<vmem>> -> memref<128x64xf32, #tpu.memory_space<vmem>>
        %dma_wait3A_219 = arith.constant 384 : i32
        %dma_wait3A_220 = tpu.memref_slice %arg8[%dma_wait3A_219] : memref<640xi32, #tpu.memory_space<vmem>> -> memref<128xi32, #tpu.memory_space<vmem>>
        %dma_wait3A_221 = arith.constant 0 : i32
        %dma_wait3A_222 = arith.constant 0 : i32
        %dma_wait3A_223 = tpu.memref_slice %arg4[%dma_wait3A_221, %dma_wait3A_222] : memref<100000x64xf32, #tpu.memory_space<hbm>> -> memref<100000x64xf32, #tpu.memory_space<hbm>>
        tpu.wait_indirect_dma semaphore(%arg14 : memref<!tpu.dma_semaphore, #tpu.memory_space<semaphore_mem>>) src(%dma_wait3A_223 : memref<100000x64xf32, #tpu.memory_space<hbm>>) dst(%dma_wait3A_218 : memref<128x64xf32, #tpu.memory_space<vmem>>)
        %dma_wait3A_224 = arith.constant 512 : i32
        %dma_wait3A_225 = arith.constant 0 : i32
        %dma_wait3A_226 = tpu.memref_slice %arg10[%dma_wait3A_224, %dma_wait3A_225] : memref<640x64xf32, #tpu.memory_space<vmem>> -> memref<128x64xf32, #tpu.memory_space<vmem>>
        %dma_wait3A_227 = arith.constant 512 : i32
        %dma_wait3A_228 = tpu.memref_slice %arg8[%dma_wait3A_227] : memref<640xi32, #tpu.memory_space<vmem>> -> memref<128xi32, #tpu.memory_space<vmem>>
        %dma_wait3A_229 = arith.constant 0 : i32
        %dma_wait3A_230 = arith.constant 0 : i32
        %dma_wait3A_231 = tpu.memref_slice %arg4[%dma_wait3A_229, %dma_wait3A_230] : memref<100000x64xf32, #tpu.memory_space<hbm>> -> memref<100000x64xf32, #tpu.memory_space<hbm>>
        tpu.wait_indirect_dma semaphore(%arg14 : memref<!tpu.dma_semaphore, #tpu.memory_space<semaphore_mem>>) src(%dma_wait3A_231 : memref<100000x64xf32, #tpu.memory_space<hbm>>) dst(%dma_wait3A_226 : memref<128x64xf32, #tpu.memory_space<vmem>>)
        %mul3A_232 = arith.constant 640 : i32
        %mul3A_233 = arith.muli %add3A_142, %mul3A_232 : i32
        %add3A_234 = arith.addi %mul3A_8, %mul3A_233 : i32
        %multiple_of3A_235 = tpu.assume_multiple %add3A_234, 640 : i32
        %dma_start3A_236 = arith.constant 0 : i32
        %dma_start3A_237 = tpu.memref_slice %arg5[%multiple_of3A_235, %dma_start3A_236] : memref<204800x64xf32, #tpu.memory_space<hbm>> -> memref<640x64xf32, #tpu.memory_space<hbm>>
        %dma_start3A_238 = arith.constant 0 : i32
        %dma_start3A_239 = tpu.memref_slice %arg5[%multiple_of3A_235, %dma_start3A_238] : memref<204800x64xf32, #tpu.memory_space<hbm>> -> memref<640x64xf32, #tpu.memory_space<hbm>>
        tpu.enqueue_dma source(%arg10 : memref<640x64xf32, #tpu.memory_space<vmem>>) target(%dma_start3A_239 : memref<640x64xf32, #tpu.memory_space<hbm>>) target_semaphore(%arg16 : memref<!tpu.dma_semaphore, #tpu.memory_space<semaphore_mem>>)
        %add3A_240 = arith.constant 2 : i32
        %add3A_241 = arith.addi %add3A_142, %add3A_240 : i32
        %lt3A_242 = arith.constant 20 : i32
        %lt3A_243 = arith.cmpi slt, %add3A_241, %lt3A_242 : i32
        %convert_element_type3A_244 = arith.extui %lt3A_243 : i1 to i32
        %cond3A_245 = arith.constant 0 : i32
        %cond3A_246 = arith.cmpi ne, %convert_element_type3A_244, %cond3A_245 : i32
        scf.if %cond3A_246 {
          %add3A_247 = arith.constant 2 : i32
          %add3A_248 = arith.addi %add3A_142, %add3A_247 : i32
          %mul3A_249 = arith.constant 640 : i32
          %mul3A_250 = arith.muli %add3A_248, %mul3A_249 : i32
          %add3A_251 = arith.addi %mul3A_8, %mul3A_250 : i32
          %multiple_of3A_252 = tpu.assume_multiple %add3A_251, 640 : i32
          %dma_start3A_253 = tpu.memref_slice %arg2[%multiple_of3A_252] : memref<204800xi32, #tpu.memory_space<hbm>> -> memref<640xi32, #tpu.memory_space<hbm>>
          %dma_start3A_254 = tpu.memref_slice %arg2[%multiple_of3A_252] : memref<204800xi32, #tpu.memory_space<hbm>> -> memref<640xi32, #tpu.memory_space<hbm>>
          tpu.enqueue_dma source(%dma_start3A_254 : memref<640xi32, #tpu.memory_space<hbm>>) target(%arg8 : memref<640xi32, #tpu.memory_space<vmem>>) target_semaphore(%arg12 : memref<!tpu.dma_semaphore, #tpu.memory_space<semaphore_mem>>)
        } else {
        }
      }
      %scan3A_20 = arith.constant 10 : i32
      %dma_wait3A = arith.constant 0 : i32
      %dma_wait3A_21 = arith.constant 0 : i32
      %dma_wait3A_22 = tpu.memref_slice %arg5[%dma_wait3A, %dma_wait3A_21] : memref<204800x64xf32, #tpu.memory_space<hbm>> -> memref<640x64xf32, #tpu.memory_space<hbm>>
      %dma_wait3A_23 = arith.constant 0 : i32
      %dma_wait3A_24 = arith.constant 0 : i32
      %dma_wait3A_25 = tpu.memref_slice %arg5[%dma_wait3A_23, %dma_wait3A_24] : memref<204800x64xf32, #tpu.memory_space<hbm>> -> memref<640x64xf32, #tpu.memory_space<hbm>>
      tpu.wait_dma2 semaphore(%arg15 : memref<!tpu.dma_semaphore, #tpu.memory_space<semaphore_mem>>) src(%arg9 : memref<640x64xf32, #tpu.memory_space<vmem>>) dst(%dma_wait3A_25 : memref<640x64xf32, #tpu.memory_space<hbm>>)
      %dma_wait3A_26 = arith.constant 0 : i32
      %dma_wait3A_27 = arith.constant 0 : i32
      %dma_wait3A_28 = tpu.memref_slice %arg5[%dma_wait3A_26, %dma_wait3A_27] : memref<204800x64xf32, #tpu.memory_space<hbm>> -> memref<640x64xf32, #tpu.memory_space<hbm>>
      %dma_wait3A_29 = arith.constant 0 : i32
      %dma_wait3A_30 = arith.constant 0 : i32
      %dma_wait3A_31 = tpu.memref_slice %arg5[%dma_wait3A_29, %dma_wait3A_30] : memref<204800x64xf32, #tpu.memory_space<hbm>> -> memref<640x64xf32, #tpu.memory_space<hbm>>
      tpu.wait_dma2 semaphore(%arg16 : memref<!tpu.dma_semaphore, #tpu.memory_space<semaphore_mem>>) src(%arg10 : memref<640x64xf32, #tpu.memory_space<vmem>>) dst(%dma_wait3A_31 : memref<640x64xf32, #tpu.memory_space<hbm>>)
    } else {
    }
    %ge3A = arith.constant 16 : i32
    %ge3A_3 = arith.cmpi sge, %add3A, %ge3A : i32
    %convert_element_type3A_4 = arith.extui %ge3A_3 : i1 to i32
    %cond3A_5 = arith.constant 0 : i32
    %cond3A_6 = arith.cmpi ne, %convert_element_type3A_4, %cond3A_5 : i32
    scf.if %cond3A_6 {
      %sub3A = arith.constant 16 : i32
      %sub3A_7 = arith.subi %add3A, %sub3A : i32
      %mul3A_8 = arith.constant 12800 : i32
      %mul3A_9 = arith.muli %sub3A_7, %mul3A_8 : i32
      %add3A_10 = arith.constant 0 : i32
      %add3A_11 = arith.addi %mul3A_9, %add3A_10 : i32
      %multiple_of3A = tpu.assume_multiple %add3A_11, 640 : i32
      %dma_start3A = tpu.memref_slice %arg3[%multiple_of3A] : memref<204800xi32, #tpu.memory_space<hbm>> -> memref<640xi32, #tpu.memory_space<hbm>>
      %dma_start3A_12 = tpu.memref_slice %arg3[%multiple_of3A] : memref<204800xi32, #tpu.memory_space<hbm>> -> memref<640xi32, #tpu.memory_space<hbm>>
      tpu.enqueue_dma source(%dma_start3A_12 : memref<640xi32, #tpu.memory_space<hbm>>) target(%arg7 : memref<640xi32, #tpu.memory_space<vmem>>) target_semaphore(%arg11 : memref<!tpu.dma_semaphore, #tpu.memory_space<semaphore_mem>>)
      %add3A_13 = arith.constant 640 : i32
      %add3A_14 = arith.addi %mul3A_9, %add3A_13 : i32
      %multiple_of3A_15 = tpu.assume_multiple %add3A_14, 640 : i32
      %dma_start3A_16 = tpu.memref_slice %arg3[%multiple_of3A_15] : memref<204800xi32, #tpu.memory_space<hbm>> -> memref<640xi32, #tpu.memory_space<hbm>>
      %dma_start3A_17 = tpu.memref_slice %arg3[%multiple_of3A_15] : memref<204800xi32, #tpu.memory_space<hbm>> -> memref<640xi32, #tpu.memory_space<hbm>>
      tpu.enqueue_dma source(%dma_start3A_17 : memref<640xi32, #tpu.memory_space<hbm>>) target(%arg8 : memref<640xi32, #tpu.memory_space<vmem>>) target_semaphore(%arg12 : memref<!tpu.dma_semaphore, #tpu.memory_space<semaphore_mem>>)
      %scan3A = arith.constant 0 : i32
      %scan3A_18 = arith.constant 10 : i32
      %scan3A_19 = arith.addi %scan3A, %scan3A_18 : i32
      %scan3A_20 = arith.constant 1 : i32
      scf.for %scan3A_33 = %scan3A to %scan3A_19 step %scan3A_20  : i32 {
        %mul3A_34 = arith.constant 2 : i32
        %mul3A_35 = arith.muli %scan3A_33, %mul3A_34 : i32
        %add3A_36 = arith.constant 0 : i32
        %add3A_37 = arith.addi %mul3A_35, %add3A_36 : i32
        %ge3A_38 = arith.constant 2 : i32
        %ge3A_39 = arith.cmpi sge, %add3A_37, %ge3A_38 : i32
        %convert_element_type3A_40 = arith.extui %ge3A_39 : i1 to i32
        %cond3A_41 = arith.constant 0 : i32
        %cond3A_42 = arith.cmpi ne, %convert_element_type3A_40, %cond3A_41 : i32
        scf.if %cond3A_42 {
          %dma_wait3A_248 = arith.constant 0 : i32
          %dma_wait3A_249 = arith.constant 0 : i32
          %dma_wait3A_250 = tpu.memref_slice %arg6[%dma_wait3A_248, %dma_wait3A_249] : memref<204800x64xf32, #tpu.memory_space<hbm>> -> memref<640x64xf32, #tpu.memory_space<hbm>>
          %dma_wait3A_251 = arith.constant 0 : i32
          %dma_wait3A_252 = arith.constant 0 : i32
          %dma_wait3A_253 = tpu.memref_slice %arg6[%dma_wait3A_251, %dma_wait3A_252] : memref<204800x64xf32, #tpu.memory_space<hbm>> -> memref<640x64xf32, #tpu.memory_space<hbm>>
          tpu.wait_dma2 semaphore(%arg15 : memref<!tpu.dma_semaphore, #tpu.memory_space<semaphore_mem>>) src(%arg9 : memref<640x64xf32, #tpu.memory_space<vmem>>) dst(%dma_wait3A_253 : memref<640x64xf32, #tpu.memory_space<hbm>>)
        } else {
        }
        %dma_wait3A_43 = arith.constant 0 : i32
        %dma_wait3A_44 = tpu.memref_slice %arg3[%dma_wait3A_43] : memref<204800xi32, #tpu.memory_space<hbm>> -> memref<640xi32, #tpu.memory_space<hbm>>
        %dma_wait3A_45 = arith.constant 0 : i32
        %dma_wait3A_46 = tpu.memref_slice %arg3[%dma_wait3A_45] : memref<204800xi32, #tpu.memory_space<hbm>> -> memref<640xi32, #tpu.memory_space<hbm>>
        tpu.wait_dma2 semaphore(%arg11 : memref<!tpu.dma_semaphore, #tpu.memory_space<semaphore_mem>>) src(%dma_wait3A_46 : memref<640xi32, #tpu.memory_space<hbm>>) dst(%arg7 : memref<640xi32, #tpu.memory_space<vmem>>)
        %dma_start3A_47 = arith.constant 0 : i32
        %dma_start3A_48 = arith.constant 0 : i32
        %dma_start3A_49 = tpu.memref_slice %arg9[%dma_start3A_47, %dma_start3A_48] : memref<640x64xf32, #tpu.memory_space<vmem>> -> memref<128x64xf32, #tpu.memory_space<vmem>>
        %dma_start3A_50 = arith.constant 0 : i32
        %dma_start3A_51 = tpu.memref_slice %arg7[%dma_start3A_50] : memref<640xi32, #tpu.memory_space<vmem>> -> memref<128xi32, #tpu.memory_space<vmem>>
        %dma_start3A_52 = arith.constant 0 : i32
        %dma_start3A_53 = arith.constant 0 : i32
        %dma_start3A_54 = tpu.memref_slice %arg4[%dma_start3A_52, %dma_start3A_53] : memref<100000x64xf32, #tpu.memory_space<hbm>> -> memref<100000x64xf32, #tpu.memory_space<hbm>>
        tpu.enqueue_indirect_dma source(%dma_start3A_54 : memref<100000x64xf32, #tpu.memory_space<hbm>>) target(%dma_start3A_49 : memref<128x64xf32, #tpu.memory_space<vmem>>) offsets(%dma_start3A_51 : memref<128xi32, #tpu.memory_space<vmem>>) semaphore(%arg13 : memref<!tpu.dma_semaphore, #tpu.memory_space<semaphore_mem>>)
        %dma_start3A_55 = arith.constant 128 : i32
        %dma_start3A_56 = arith.constant 0 : i32
        %dma_start3A_57 = tpu.memref_slice %arg9[%dma_start3A_55, %dma_start3A_56] : memref<640x64xf32, #tpu.memory_space<vmem>> -> memref<128x64xf32, #tpu.memory_space<vmem>>
        %dma_start3A_58 = arith.constant 128 : i32
        %dma_start3A_59 = tpu.memref_slice %arg7[%dma_start3A_58] : memref<640xi32, #tpu.memory_space<vmem>> -> memref<128xi32, #tpu.memory_space<vmem>>
        %dma_start3A_60 = arith.constant 0 : i32
        %dma_start3A_61 = arith.constant 0 : i32
        %dma_start3A_62 = tpu.memref_slice %arg4[%dma_start3A_60, %dma_start3A_61] : memref<100000x64xf32, #tpu.memory_space<hbm>> -> memref<100000x64xf32, #tpu.memory_space<hbm>>
        tpu.enqueue_indirect_dma source(%dma_start3A_62 : memref<100000x64xf32, #tpu.memory_space<hbm>>) target(%dma_start3A_57 : memref<128x64xf32, #tpu.memory_space<vmem>>) offsets(%dma_start3A_59 : memref<128xi32, #tpu.memory_space<vmem>>) semaphore(%arg13 : memref<!tpu.dma_semaphore, #tpu.memory_space<semaphore_mem>>)
        %dma_start3A_63 = arith.constant 256 : i32
        %dma_start3A_64 = arith.constant 0 : i32
        %dma_start3A_65 = tpu.memref_slice %arg9[%dma_start3A_63, %dma_start3A_64] : memref<640x64xf32, #tpu.memory_space<vmem>> -> memref<128x64xf32, #tpu.memory_space<vmem>>
        %dma_start3A_66 = arith.constant 256 : i32
        %dma_start3A_67 = tpu.memref_slice %arg7[%dma_start3A_66] : memref<640xi32, #tpu.memory_space<vmem>> -> memref<128xi32, #tpu.memory_space<vmem>>
        %dma_start3A_68 = arith.constant 0 : i32
        %dma_start3A_69 = arith.constant 0 : i32
        %dma_start3A_70 = tpu.memref_slice %arg4[%dma_start3A_68, %dma_start3A_69] : memref<100000x64xf32, #tpu.memory_space<hbm>> -> memref<100000x64xf32, #tpu.memory_space<hbm>>
        tpu.enqueue_indirect_dma source(%dma_start3A_70 : memref<100000x64xf32, #tpu.memory_space<hbm>>) target(%dma_start3A_65 : memref<128x64xf32, #tpu.memory_space<vmem>>) offsets(%dma_start3A_67 : memref<128xi32, #tpu.memory_space<vmem>>) semaphore(%arg13 : memref<!tpu.dma_semaphore, #tpu.memory_space<semaphore_mem>>)
        %dma_start3A_71 = arith.constant 384 : i32
        %dma_start3A_72 = arith.constant 0 : i32
        %dma_start3A_73 = tpu.memref_slice %arg9[%dma_start3A_71, %dma_start3A_72] : memref<640x64xf32, #tpu.memory_space<vmem>> -> memref<128x64xf32, #tpu.memory_space<vmem>>
        %dma_start3A_74 = arith.constant 384 : i32
        %dma_start3A_75 = tpu.memref_slice %arg7[%dma_start3A_74] : memref<640xi32, #tpu.memory_space<vmem>> -> memref<128xi32, #tpu.memory_space<vmem>>
        %dma_start3A_76 = arith.constant 0 : i32
        %dma_start3A_77 = arith.constant 0 : i32
        %dma_start3A_78 = tpu.memref_slice %arg4[%dma_start3A_76, %dma_start3A_77] : memref<100000x64xf32, #tpu.memory_space<hbm>> -> memref<100000x64xf32, #tpu.memory_space<hbm>>
        tpu.enqueue_indirect_dma source(%dma_start3A_78 : memref<100000x64xf32, #tpu.memory_space<hbm>>) target(%dma_start3A_73 : memref<128x64xf32, #tpu.memory_space<vmem>>) offsets(%dma_start3A_75 : memref<128xi32, #tpu.memory_space<vmem>>) semaphore(%arg13 : memref<!tpu.dma_semaphore, #tpu.memory_space<semaphore_mem>>)
        %dma_start3A_79 = arith.constant 512 : i32
        %dma_start3A_80 = arith.constant 0 : i32
        %dma_start3A_81 = tpu.memref_slice %arg9[%dma_start3A_79, %dma_start3A_80] : memref<640x64xf32, #tpu.memory_space<vmem>> -> memref<128x64xf32, #tpu.memory_space<vmem>>
        %dma_start3A_82 = arith.constant 512 : i32
        %dma_start3A_83 = tpu.memref_slice %arg7[%dma_start3A_82] : memref<640xi32, #tpu.memory_space<vmem>> -> memref<128xi32, #tpu.memory_space<vmem>>
        %dma_start3A_84 = arith.constant 0 : i32
        %dma_start3A_85 = arith.constant 0 : i32
        %dma_start3A_86 = tpu.memref_slice %arg4[%dma_start3A_84, %dma_start3A_85] : memref<100000x64xf32, #tpu.memory_space<hbm>> -> memref<100000x64xf32, #tpu.memory_space<hbm>>
        tpu.enqueue_indirect_dma source(%dma_start3A_86 : memref<100000x64xf32, #tpu.memory_space<hbm>>) target(%dma_start3A_81 : memref<128x64xf32, #tpu.memory_space<vmem>>) offsets(%dma_start3A_83 : memref<128xi32, #tpu.memory_space<vmem>>) semaphore(%arg13 : memref<!tpu.dma_semaphore, #tpu.memory_space<semaphore_mem>>)
        %dma_wait3A_87 = arith.constant 0 : i32
        %dma_wait3A_88 = arith.constant 0 : i32
        %dma_wait3A_89 = tpu.memref_slice %arg9[%dma_wait3A_87, %dma_wait3A_88] : memref<640x64xf32, #tpu.memory_space<vmem>> -> memref<128x64xf32, #tpu.memory_space<vmem>>
        %dma_wait3A_90 = arith.constant 0 : i32
        %dma_wait3A_91 = tpu.memref_slice %arg7[%dma_wait3A_90] : memref<640xi32, #tpu.memory_space<vmem>> -> memref<128xi32, #tpu.memory_space<vmem>>
        %dma_wait3A_92 = arith.constant 0 : i32
        %dma_wait3A_93 = arith.constant 0 : i32
        %dma_wait3A_94 = tpu.memref_slice %arg4[%dma_wait3A_92, %dma_wait3A_93] : memref<100000x64xf32, #tpu.memory_space<hbm>> -> memref<100000x64xf32, #tpu.memory_space<hbm>>
        tpu.wait_indirect_dma semaphore(%arg13 : memref<!tpu.dma_semaphore, #tpu.memory_space<semaphore_mem>>) src(%dma_wait3A_94 : memref<100000x64xf32, #tpu.memory_space<hbm>>) dst(%dma_wait3A_89 : memref<128x64xf32, #tpu.memory_space<vmem>>)
        %dma_wait3A_95 = arith.constant 128 : i32
        %dma_wait3A_96 = arith.constant 0 : i32
        %dma_wait3A_97 = tpu.memref_slice %arg9[%dma_wait3A_95, %dma_wait3A_96] : memref<640x64xf32, #tpu.memory_space<vmem>> -> memref<128x64xf32, #tpu.memory_space<vmem>>
        %dma_wait3A_98 = arith.constant 128 : i32
        %dma_wait3A_99 = tpu.memref_slice %arg7[%dma_wait3A_98] : memref<640xi32, #tpu.memory_space<vmem>> -> memref<128xi32, #tpu.memory_space<vmem>>
        %dma_wait3A_100 = arith.constant 0 : i32
        %dma_wait3A_101 = arith.constant 0 : i32
        %dma_wait3A_102 = tpu.memref_slice %arg4[%dma_wait3A_100, %dma_wait3A_101] : memref<100000x64xf32, #tpu.memory_space<hbm>> -> memref<100000x64xf32, #tpu.memory_space<hbm>>
        tpu.wait_indirect_dma semaphore(%arg13 : memref<!tpu.dma_semaphore, #tpu.memory_space<semaphore_mem>>) src(%dma_wait3A_102 : memref<100000x64xf32, #tpu.memory_space<hbm>>) dst(%dma_wait3A_97 : memref<128x64xf32, #tpu.memory_space<vmem>>)
        %dma_wait3A_103 = arith.constant 256 : i32
        %dma_wait3A_104 = arith.constant 0 : i32
        %dma_wait3A_105 = tpu.memref_slice %arg9[%dma_wait3A_103, %dma_wait3A_104] : memref<640x64xf32, #tpu.memory_space<vmem>> -> memref<128x64xf32, #tpu.memory_space<vmem>>
        %dma_wait3A_106 = arith.constant 256 : i32
        %dma_wait3A_107 = tpu.memref_slice %arg7[%dma_wait3A_106] : memref<640xi32, #tpu.memory_space<vmem>> -> memref<128xi32, #tpu.memory_space<vmem>>
        %dma_wait3A_108 = arith.constant 0 : i32
        %dma_wait3A_109 = arith.constant 0 : i32
        %dma_wait3A_110 = tpu.memref_slice %arg4[%dma_wait3A_108, %dma_wait3A_109] : memref<100000x64xf32, #tpu.memory_space<hbm>> -> memref<100000x64xf32, #tpu.memory_space<hbm>>
        tpu.wait_indirect_dma semaphore(%arg13 : memref<!tpu.dma_semaphore, #tpu.memory_space<semaphore_mem>>) src(%dma_wait3A_110 : memref<100000x64xf32, #tpu.memory_space<hbm>>) dst(%dma_wait3A_105 : memref<128x64xf32, #tpu.memory_space<vmem>>)
        %dma_wait3A_111 = arith.constant 384 : i32
        %dma_wait3A_112 = arith.constant 0 : i32
        %dma_wait3A_113 = tpu.memref_slice %arg9[%dma_wait3A_111, %dma_wait3A_112] : memref<640x64xf32, #tpu.memory_space<vmem>> -> memref<128x64xf32, #tpu.memory_space<vmem>>
        %dma_wait3A_114 = arith.constant 384 : i32
        %dma_wait3A_115 = tpu.memref_slice %arg7[%dma_wait3A_114] : memref<640xi32, #tpu.memory_space<vmem>> -> memref<128xi32, #tpu.memory_space<vmem>>
        %dma_wait3A_116 = arith.constant 0 : i32
        %dma_wait3A_117 = arith.constant 0 : i32
        %dma_wait3A_118 = tpu.memref_slice %arg4[%dma_wait3A_116, %dma_wait3A_117] : memref<100000x64xf32, #tpu.memory_space<hbm>> -> memref<100000x64xf32, #tpu.memory_space<hbm>>
        tpu.wait_indirect_dma semaphore(%arg13 : memref<!tpu.dma_semaphore, #tpu.memory_space<semaphore_mem>>) src(%dma_wait3A_118 : memref<100000x64xf32, #tpu.memory_space<hbm>>) dst(%dma_wait3A_113 : memref<128x64xf32, #tpu.memory_space<vmem>>)
        %dma_wait3A_119 = arith.constant 512 : i32
        %dma_wait3A_120 = arith.constant 0 : i32
        %dma_wait3A_121 = tpu.memref_slice %arg9[%dma_wait3A_119, %dma_wait3A_120] : memref<640x64xf32, #tpu.memory_space<vmem>> -> memref<128x64xf32, #tpu.memory_space<vmem>>
        %dma_wait3A_122 = arith.constant 512 : i32
        %dma_wait3A_123 = tpu.memref_slice %arg7[%dma_wait3A_122] : memref<640xi32, #tpu.memory_space<vmem>> -> memref<128xi32, #tpu.memory_space<vmem>>
        %dma_wait3A_124 = arith.constant 0 : i32
        %dma_wait3A_125 = arith.constant 0 : i32
        %dma_wait3A_126 = tpu.memref_slice %arg4[%dma_wait3A_124, %dma_wait3A_125] : memref<100000x64xf32, #tpu.memory_space<hbm>> -> memref<100000x64xf32, #tpu.memory_space<hbm>>
        tpu.wait_indirect_dma semaphore(%arg13 : memref<!tpu.dma_semaphore, #tpu.memory_space<semaphore_mem>>) src(%dma_wait3A_126 : memref<100000x64xf32, #tpu.memory_space<hbm>>) dst(%dma_wait3A_121 : memref<128x64xf32, #tpu.memory_space<vmem>>)
        %mul3A_127 = arith.constant 640 : i32
        %mul3A_128 = arith.muli %add3A_37, %mul3A_127 : i32
        %add3A_129 = arith.addi %mul3A_9, %mul3A_128 : i32
        %multiple_of3A_130 = tpu.assume_multiple %add3A_129, 640 : i32
        %dma_start3A_131 = arith.constant 0 : i32
        %dma_start3A_132 = tpu.memref_slice %arg6[%multiple_of3A_130, %dma_start3A_131] : memref<204800x64xf32, #tpu.memory_space<hbm>> -> memref<640x64xf32, #tpu.memory_space<hbm>>
        %dma_start3A_133 = arith.constant 0 : i32
        %dma_start3A_134 = tpu.memref_slice %arg6[%multiple_of3A_130, %dma_start3A_133] : memref<204800x64xf32, #tpu.memory_space<hbm>> -> memref<640x64xf32, #tpu.memory_space<hbm>>
        tpu.enqueue_dma source(%arg9 : memref<640x64xf32, #tpu.memory_space<vmem>>) target(%dma_start3A_134 : memref<640x64xf32, #tpu.memory_space<hbm>>) target_semaphore(%arg15 : memref<!tpu.dma_semaphore, #tpu.memory_space<semaphore_mem>>)
        %add3A_135 = arith.constant 2 : i32
        %add3A_136 = arith.addi %add3A_37, %add3A_135 : i32
        %lt3A_137 = arith.constant 20 : i32
        %lt3A_138 = arith.cmpi slt, %add3A_136, %lt3A_137 : i32
        %convert_element_type3A_139 = arith.extui %lt3A_138 : i1 to i32
        %cond3A_140 = arith.constant 0 : i32
        %cond3A_141 = arith.cmpi ne, %convert_element_type3A_139, %cond3A_140 : i32
        scf.if %cond3A_141 {
          %add3A_248 = arith.constant 2 : i32
          %add3A_249 = arith.addi %add3A_37, %add3A_248 : i32
          %mul3A_250 = arith.constant 640 : i32
          %mul3A_251 = arith.muli %add3A_249, %mul3A_250 : i32
          %add3A_252 = arith.addi %mul3A_9, %mul3A_251 : i32
          %multiple_of3A_253 = tpu.assume_multiple %add3A_252, 640 : i32
          %dma_start3A_254 = tpu.memref_slice %arg3[%multiple_of3A_253] : memref<204800xi32, #tpu.memory_space<hbm>> -> memref<640xi32, #tpu.memory_space<hbm>>
          %dma_start3A_255 = tpu.memref_slice %arg3[%multiple_of3A_253] : memref<204800xi32, #tpu.memory_space<hbm>> -> memref<640xi32, #tpu.memory_space<hbm>>
          tpu.enqueue_dma source(%dma_start3A_255 : memref<640xi32, #tpu.memory_space<hbm>>) target(%arg7 : memref<640xi32, #tpu.memory_space<vmem>>) target_semaphore(%arg11 : memref<!tpu.dma_semaphore, #tpu.memory_space<semaphore_mem>>)
        } else {
        }
        %add3A_142 = arith.constant 1 : i32
        %add3A_143 = arith.addi %mul3A_35, %add3A_142 : i32
        %ge3A_144 = arith.constant 2 : i32
        %ge3A_145 = arith.cmpi sge, %add3A_143, %ge3A_144 : i32
        %convert_element_type3A_146 = arith.extui %ge3A_145 : i1 to i32
        %cond3A_147 = arith.constant 0 : i32
        %cond3A_148 = arith.cmpi ne, %convert_element_type3A_146, %cond3A_147 : i32
        scf.if %cond3A_148 {
          %dma_wait3A_248 = arith.constant 0 : i32
          %dma_wait3A_249 = arith.constant 0 : i32
          %dma_wait3A_250 = tpu.memref_slice %arg6[%dma_wait3A_248, %dma_wait3A_249] : memref<204800x64xf32, #tpu.memory_space<hbm>> -> memref<640x64xf32, #tpu.memory_space<hbm>>
          %dma_wait3A_251 = arith.constant 0 : i32
          %dma_wait3A_252 = arith.constant 0 : i32
          %dma_wait3A_253 = tpu.memref_slice %arg6[%dma_wait3A_251, %dma_wait3A_252] : memref<204800x64xf32, #tpu.memory_space<hbm>> -> memref<640x64xf32, #tpu.memory_space<hbm>>
          tpu.wait_dma2 semaphore(%arg16 : memref<!tpu.dma_semaphore, #tpu.memory_space<semaphore_mem>>) src(%arg10 : memref<640x64xf32, #tpu.memory_space<vmem>>) dst(%dma_wait3A_253 : memref<640x64xf32, #tpu.memory_space<hbm>>)
        } else {
        }
        %dma_wait3A_149 = arith.constant 0 : i32
        %dma_wait3A_150 = tpu.memref_slice %arg3[%dma_wait3A_149] : memref<204800xi32, #tpu.memory_space<hbm>> -> memref<640xi32, #tpu.memory_space<hbm>>
        %dma_wait3A_151 = arith.constant 0 : i32
        %dma_wait3A_152 = tpu.memref_slice %arg3[%dma_wait3A_151] : memref<204800xi32, #tpu.memory_space<hbm>> -> memref<640xi32, #tpu.memory_space<hbm>>
        tpu.wait_dma2 semaphore(%arg12 : memref<!tpu.dma_semaphore, #tpu.memory_space<semaphore_mem>>) src(%dma_wait3A_152 : memref<640xi32, #tpu.memory_space<hbm>>) dst(%arg8 : memref<640xi32, #tpu.memory_space<vmem>>)
        %dma_start3A_153 = arith.constant 0 : i32
        %dma_start3A_154 = arith.constant 0 : i32
        %dma_start3A_155 = tpu.memref_slice %arg10[%dma_start3A_153, %dma_start3A_154] : memref<640x64xf32, #tpu.memory_space<vmem>> -> memref<128x64xf32, #tpu.memory_space<vmem>>
        %dma_start3A_156 = arith.constant 0 : i32
        %dma_start3A_157 = tpu.memref_slice %arg8[%dma_start3A_156] : memref<640xi32, #tpu.memory_space<vmem>> -> memref<128xi32, #tpu.memory_space<vmem>>
        %dma_start3A_158 = arith.constant 0 : i32
        %dma_start3A_159 = arith.constant 0 : i32
        %dma_start3A_160 = tpu.memref_slice %arg4[%dma_start3A_158, %dma_start3A_159] : memref<100000x64xf32, #tpu.memory_space<hbm>> -> memref<100000x64xf32, #tpu.memory_space<hbm>>
        tpu.enqueue_indirect_dma source(%dma_start3A_160 : memref<100000x64xf32, #tpu.memory_space<hbm>>) target(%dma_start3A_155 : memref<128x64xf32, #tpu.memory_space<vmem>>) offsets(%dma_start3A_157 : memref<128xi32, #tpu.memory_space<vmem>>) semaphore(%arg14 : memref<!tpu.dma_semaphore, #tpu.memory_space<semaphore_mem>>)
        %dma_start3A_161 = arith.constant 128 : i32
        %dma_start3A_162 = arith.constant 0 : i32
        %dma_start3A_163 = tpu.memref_slice %arg10[%dma_start3A_161, %dma_start3A_162] : memref<640x64xf32, #tpu.memory_space<vmem>> -> memref<128x64xf32, #tpu.memory_space<vmem>>
        %dma_start3A_164 = arith.constant 128 : i32
        %dma_start3A_165 = tpu.memref_slice %arg8[%dma_start3A_164] : memref<640xi32, #tpu.memory_space<vmem>> -> memref<128xi32, #tpu.memory_space<vmem>>
        %dma_start3A_166 = arith.constant 0 : i32
        %dma_start3A_167 = arith.constant 0 : i32
        %dma_start3A_168 = tpu.memref_slice %arg4[%dma_start3A_166, %dma_start3A_167] : memref<100000x64xf32, #tpu.memory_space<hbm>> -> memref<100000x64xf32, #tpu.memory_space<hbm>>
        tpu.enqueue_indirect_dma source(%dma_start3A_168 : memref<100000x64xf32, #tpu.memory_space<hbm>>) target(%dma_start3A_163 : memref<128x64xf32, #tpu.memory_space<vmem>>) offsets(%dma_start3A_165 : memref<128xi32, #tpu.memory_space<vmem>>) semaphore(%arg14 : memref<!tpu.dma_semaphore, #tpu.memory_space<semaphore_mem>>)
        %dma_start3A_169 = arith.constant 256 : i32
        %dma_start3A_170 = arith.constant 0 : i32
        %dma_start3A_171 = tpu.memref_slice %arg10[%dma_start3A_169, %dma_start3A_170] : memref<640x64xf32, #tpu.memory_space<vmem>> -> memref<128x64xf32, #tpu.memory_space<vmem>>
        %dma_start3A_172 = arith.constant 256 : i32
        %dma_start3A_173 = tpu.memref_slice %arg8[%dma_start3A_172] : memref<640xi32, #tpu.memory_space<vmem>> -> memref<128xi32, #tpu.memory_space<vmem>>
        %dma_start3A_174 = arith.constant 0 : i32
        %dma_start3A_175 = arith.constant 0 : i32
        %dma_start3A_176 = tpu.memref_slice %arg4[%dma_start3A_174, %dma_start3A_175] : memref<100000x64xf32, #tpu.memory_space<hbm>> -> memref<100000x64xf32, #tpu.memory_space<hbm>>
        tpu.enqueue_indirect_dma source(%dma_start3A_176 : memref<100000x64xf32, #tpu.memory_space<hbm>>) target(%dma_start3A_171 : memref<128x64xf32, #tpu.memory_space<vmem>>) offsets(%dma_start3A_173 : memref<128xi32, #tpu.memory_space<vmem>>) semaphore(%arg14 : memref<!tpu.dma_semaphore, #tpu.memory_space<semaphore_mem>>)
        %dma_start3A_177 = arith.constant 384 : i32
        %dma_start3A_178 = arith.constant 0 : i32
        %dma_start3A_179 = tpu.memref_slice %arg10[%dma_start3A_177, %dma_start3A_178] : memref<640x64xf32, #tpu.memory_space<vmem>> -> memref<128x64xf32, #tpu.memory_space<vmem>>
        %dma_start3A_180 = arith.constant 384 : i32
        %dma_start3A_181 = tpu.memref_slice %arg8[%dma_start3A_180] : memref<640xi32, #tpu.memory_space<vmem>> -> memref<128xi32, #tpu.memory_space<vmem>>
        %dma_start3A_182 = arith.constant 0 : i32
        %dma_start3A_183 = arith.constant 0 : i32
        %dma_start3A_184 = tpu.memref_slice %arg4[%dma_start3A_182, %dma_start3A_183] : memref<100000x64xf32, #tpu.memory_space<hbm>> -> memref<100000x64xf32, #tpu.memory_space<hbm>>
        tpu.enqueue_indirect_dma source(%dma_start3A_184 : memref<100000x64xf32, #tpu.memory_space<hbm>>) target(%dma_start3A_179 : memref<128x64xf32, #tpu.memory_space<vmem>>) offsets(%dma_start3A_181 : memref<128xi32, #tpu.memory_space<vmem>>) semaphore(%arg14 : memref<!tpu.dma_semaphore, #tpu.memory_space<semaphore_mem>>)
        %dma_start3A_185 = arith.constant 512 : i32
        %dma_start3A_186 = arith.constant 0 : i32
        %dma_start3A_187 = tpu.memref_slice %arg10[%dma_start3A_185, %dma_start3A_186] : memref<640x64xf32, #tpu.memory_space<vmem>> -> memref<128x64xf32, #tpu.memory_space<vmem>>
        %dma_start3A_188 = arith.constant 512 : i32
        %dma_start3A_189 = tpu.memref_slice %arg8[%dma_start3A_188] : memref<640xi32, #tpu.memory_space<vmem>> -> memref<128xi32, #tpu.memory_space<vmem>>
        %dma_start3A_190 = arith.constant 0 : i32
        %dma_start3A_191 = arith.constant 0 : i32
        %dma_start3A_192 = tpu.memref_slice %arg4[%dma_start3A_190, %dma_start3A_191] : memref<100000x64xf32, #tpu.memory_space<hbm>> -> memref<100000x64xf32, #tpu.memory_space<hbm>>
        tpu.enqueue_indirect_dma source(%dma_start3A_192 : memref<100000x64xf32, #tpu.memory_space<hbm>>) target(%dma_start3A_187 : memref<128x64xf32, #tpu.memory_space<vmem>>) offsets(%dma_start3A_189 : memref<128xi32, #tpu.memory_space<vmem>>) semaphore(%arg14 : memref<!tpu.dma_semaphore, #tpu.memory_space<semaphore_mem>>)
        %dma_wait3A_193 = arith.constant 0 : i32
        %dma_wait3A_194 = arith.constant 0 : i32
        %dma_wait3A_195 = tpu.memref_slice %arg10[%dma_wait3A_193, %dma_wait3A_194] : memref<640x64xf32, #tpu.memory_space<vmem>> -> memref<128x64xf32, #tpu.memory_space<vmem>>
        %dma_wait3A_196 = arith.constant 0 : i32
        %dma_wait3A_197 = tpu.memref_slice %arg8[%dma_wait3A_196] : memref<640xi32, #tpu.memory_space<vmem>> -> memref<128xi32, #tpu.memory_space<vmem>>
        %dma_wait3A_198 = arith.constant 0 : i32
        %dma_wait3A_199 = arith.constant 0 : i32
        %dma_wait3A_200 = tpu.memref_slice %arg4[%dma_wait3A_198, %dma_wait3A_199] : memref<100000x64xf32, #tpu.memory_space<hbm>> -> memref<100000x64xf32, #tpu.memory_space<hbm>>
        tpu.wait_indirect_dma semaphore(%arg14 : memref<!tpu.dma_semaphore, #tpu.memory_space<semaphore_mem>>) src(%dma_wait3A_200 : memref<100000x64xf32, #tpu.memory_space<hbm>>) dst(%dma_wait3A_195 : memref<128x64xf32, #tpu.memory_space<vmem>>)
        %dma_wait3A_201 = arith.constant 128 : i32
        %dma_wait3A_202 = arith.constant 0 : i32
        %dma_wait3A_203 = tpu.memref_slice %arg10[%dma_wait3A_201, %dma_wait3A_202] : memref<640x64xf32, #tpu.memory_space<vmem>> -> memref<128x64xf32, #tpu.memory_space<vmem>>
        %dma_wait3A_204 = arith.constant 128 : i32
        %dma_wait3A_205 = tpu.memref_slice %arg8[%dma_wait3A_204] : memref<640xi32, #tpu.memory_space<vmem>> -> memref<128xi32, #tpu.memory_space<vmem>>
        %dma_wait3A_206 = arith.constant 0 : i32
        %dma_wait3A_207 = arith.constant 0 : i32
        %dma_wait3A_208 = tpu.memref_slice %arg4[%dma_wait3A_206, %dma_wait3A_207] : memref<100000x64xf32, #tpu.memory_space<hbm>> -> memref<100000x64xf32, #tpu.memory_space<hbm>>
        tpu.wait_indirect_dma semaphore(%arg14 : memref<!tpu.dma_semaphore, #tpu.memory_space<semaphore_mem>>) src(%dma_wait3A_208 : memref<100000x64xf32, #tpu.memory_space<hbm>>) dst(%dma_wait3A_203 : memref<128x64xf32, #tpu.memory_space<vmem>>)
        %dma_wait3A_209 = arith.constant 256 : i32
        %dma_wait3A_210 = arith.constant 0 : i32
        %dma_wait3A_211 = tpu.memref_slice %arg10[%dma_wait3A_209, %dma_wait3A_210] : memref<640x64xf32, #tpu.memory_space<vmem>> -> memref<128x64xf32, #tpu.memory_space<vmem>>
        %dma_wait3A_212 = arith.constant 256 : i32
        %dma_wait3A_213 = tpu.memref_slice %arg8[%dma_wait3A_212] : memref<640xi32, #tpu.memory_space<vmem>> -> memref<128xi32, #tpu.memory_space<vmem>>
        %dma_wait3A_214 = arith.constant 0 : i32
        %dma_wait3A_215 = arith.constant 0 : i32
        %dma_wait3A_216 = tpu.memref_slice %arg4[%dma_wait3A_214, %dma_wait3A_215] : memref<100000x64xf32, #tpu.memory_space<hbm>> -> memref<100000x64xf32, #tpu.memory_space<hbm>>
        tpu.wait_indirect_dma semaphore(%arg14 : memref<!tpu.dma_semaphore, #tpu.memory_space<semaphore_mem>>) src(%dma_wait3A_216 : memref<100000x64xf32, #tpu.memory_space<hbm>>) dst(%dma_wait3A_211 : memref<128x64xf32, #tpu.memory_space<vmem>>)
        %dma_wait3A_217 = arith.constant 384 : i32
        %dma_wait3A_218 = arith.constant 0 : i32
        %dma_wait3A_219 = tpu.memref_slice %arg10[%dma_wait3A_217, %dma_wait3A_218] : memref<640x64xf32, #tpu.memory_space<vmem>> -> memref<128x64xf32, #tpu.memory_space<vmem>>
        %dma_wait3A_220 = arith.constant 384 : i32
        %dma_wait3A_221 = tpu.memref_slice %arg8[%dma_wait3A_220] : memref<640xi32, #tpu.memory_space<vmem>> -> memref<128xi32, #tpu.memory_space<vmem>>
        %dma_wait3A_222 = arith.constant 0 : i32
        %dma_wait3A_223 = arith.constant 0 : i32
        %dma_wait3A_224 = tpu.memref_slice %arg4[%dma_wait3A_222, %dma_wait3A_223] : memref<100000x64xf32, #tpu.memory_space<hbm>> -> memref<100000x64xf32, #tpu.memory_space<hbm>>
        tpu.wait_indirect_dma semaphore(%arg14 : memref<!tpu.dma_semaphore, #tpu.memory_space<semaphore_mem>>) src(%dma_wait3A_224 : memref<100000x64xf32, #tpu.memory_space<hbm>>) dst(%dma_wait3A_219 : memref<128x64xf32, #tpu.memory_space<vmem>>)
        %dma_wait3A_225 = arith.constant 512 : i32
        %dma_wait3A_226 = arith.constant 0 : i32
        %dma_wait3A_227 = tpu.memref_slice %arg10[%dma_wait3A_225, %dma_wait3A_226] : memref<640x64xf32, #tpu.memory_space<vmem>> -> memref<128x64xf32, #tpu.memory_space<vmem>>
        %dma_wait3A_228 = arith.constant 512 : i32
        %dma_wait3A_229 = tpu.memref_slice %arg8[%dma_wait3A_228] : memref<640xi32, #tpu.memory_space<vmem>> -> memref<128xi32, #tpu.memory_space<vmem>>
        %dma_wait3A_230 = arith.constant 0 : i32
        %dma_wait3A_231 = arith.constant 0 : i32
        %dma_wait3A_232 = tpu.memref_slice %arg4[%dma_wait3A_230, %dma_wait3A_231] : memref<100000x64xf32, #tpu.memory_space<hbm>> -> memref<100000x64xf32, #tpu.memory_space<hbm>>
        tpu.wait_indirect_dma semaphore(%arg14 : memref<!tpu.dma_semaphore, #tpu.memory_space<semaphore_mem>>) src(%dma_wait3A_232 : memref<100000x64xf32, #tpu.memory_space<hbm>>) dst(%dma_wait3A_227 : memref<128x64xf32, #tpu.memory_space<vmem>>)
        %mul3A_233 = arith.constant 640 : i32
        %mul3A_234 = arith.muli %add3A_143, %mul3A_233 : i32
        %add3A_235 = arith.addi %mul3A_9, %mul3A_234 : i32
        %multiple_of3A_236 = tpu.assume_multiple %add3A_235, 640 : i32
        %dma_start3A_237 = arith.constant 0 : i32
        %dma_start3A_238 = tpu.memref_slice %arg6[%multiple_of3A_236, %dma_start3A_237] : memref<204800x64xf32, #tpu.memory_space<hbm>> -> memref<640x64xf32, #tpu.memory_space<hbm>>
        %dma_start3A_239 = arith.constant 0 : i32
        %dma_start3A_240 = tpu.memref_slice %arg6[%multiple_of3A_236, %dma_start3A_239] : memref<204800x64xf32, #tpu.memory_space<hbm>> -> memref<640x64xf32, #tpu.memory_space<hbm>>
        tpu.enqueue_dma source(%arg10 : memref<640x64xf32, #tpu.memory_space<vmem>>) target(%dma_start3A_240 : memref<640x64xf32, #tpu.memory_space<hbm>>) target_semaphore(%arg16 : memref<!tpu.dma_semaphore, #tpu.memory_space<semaphore_mem>>)
        %add3A_241 = arith.constant 2 : i32
        %add3A_242 = arith.addi %add3A_143, %add3A_241 : i32
        %lt3A_243 = arith.constant 20 : i32
        %lt3A_244 = arith.cmpi slt, %add3A_242, %lt3A_243 : i32
        %convert_element_type3A_245 = arith.extui %lt3A_244 : i1 to i32
        %cond3A_246 = arith.constant 0 : i32
        %cond3A_247 = arith.cmpi ne, %convert_element_type3A_245, %cond3A_246 : i32
        scf.if %cond3A_247 {
          %add3A_248 = arith.constant 2 : i32
          %add3A_249 = arith.addi %add3A_143, %add3A_248 : i32
          %mul3A_250 = arith.constant 640 : i32
          %mul3A_251 = arith.muli %add3A_249, %mul3A_250 : i32
          %add3A_252 = arith.addi %mul3A_9, %mul3A_251 : i32
          %multiple_of3A_253 = tpu.assume_multiple %add3A_252, 640 : i32
          %dma_start3A_254 = tpu.memref_slice %arg3[%multiple_of3A_253] : memref<204800xi32, #tpu.memory_space<hbm>> -> memref<640xi32, #tpu.memory_space<hbm>>
          %dma_start3A_255 = tpu.memref_slice %arg3[%multiple_of3A_253] : memref<204800xi32, #tpu.memory_space<hbm>> -> memref<640xi32, #tpu.memory_space<hbm>>
          tpu.enqueue_dma source(%dma_start3A_255 : memref<640xi32, #tpu.memory_space<hbm>>) target(%arg8 : memref<640xi32, #tpu.memory_space<vmem>>) target_semaphore(%arg12 : memref<!tpu.dma_semaphore, #tpu.memory_space<semaphore_mem>>)
        } else {
        }
      }
      %scan3A_21 = arith.constant 10 : i32
      %dma_wait3A = arith.constant 0 : i32
      %dma_wait3A_22 = arith.constant 0 : i32
      %dma_wait3A_23 = tpu.memref_slice %arg6[%dma_wait3A, %dma_wait3A_22] : memref<204800x64xf32, #tpu.memory_space<hbm>> -> memref<640x64xf32, #tpu.memory_space<hbm>>
      %dma_wait3A_24 = arith.constant 0 : i32
      %dma_wait3A_25 = arith.constant 0 : i32
      %dma_wait3A_26 = tpu.memref_slice %arg6[%dma_wait3A_24, %dma_wait3A_25] : memref<204800x64xf32, #tpu.memory_space<hbm>> -> memref<640x64xf32, #tpu.memory_space<hbm>>
      tpu.wait_dma2 semaphore(%arg15 : memref<!tpu.dma_semaphore, #tpu.memory_space<semaphore_mem>>) src(%arg9 : memref<640x64xf32, #tpu.memory_space<vmem>>) dst(%dma_wait3A_26 : memref<640x64xf32, #tpu.memory_space<hbm>>)
      %dma_wait3A_27 = arith.constant 0 : i32
      %dma_wait3A_28 = arith.constant 0 : i32
      %dma_wait3A_29 = tpu.memref_slice %arg6[%dma_wait3A_27, %dma_wait3A_28] : memref<204800x64xf32, #tpu.memory_space<hbm>> -> memref<640x64xf32, #tpu.memory_space<hbm>>
      %dma_wait3A_30 = arith.constant 0 : i32
      %dma_wait3A_31 = arith.constant 0 : i32
      %dma_wait3A_32 = tpu.memref_slice %arg6[%dma_wait3A_30, %dma_wait3A_31] : memref<204800x64xf32, #tpu.memory_space<hbm>> -> memref<640x64xf32, #tpu.memory_space<hbm>>
      tpu.wait_dma2 semaphore(%arg16 : memref<!tpu.dma_semaphore, #tpu.memory_space<semaphore_mem>>) src(%arg10 : memref<640x64xf32, #tpu.memory_space<vmem>>) dst(%dma_wait3A_32 : memref<640x64xf32, #tpu.memory_space<hbm>>)
    } else {
    }
    return
  }
}

</mosaic_0001>

<sc_bundles>
// kernel: kernel.3.cloned.1.call-start
scs
__scs_entry_jumppad:
0x0: {  	(pc) =	sbr.rel $0x88, $3  }
0x1: {  	(tag) =	ssettag $0x0;
	lr =	simm.s32 $0x1  }
0x2: {  	[smem:$0x3F9E] =	sst lr;
	_ =	strace $0xD0000000  }
0x3: {  	_ = 	snop  }
0x4: {  	_ = 	snop  }
0x5: {  	_ = 	snop  }
0x6: {  	_ = 	snop  }
0x7: {  	_ = 	snop  }
__scs_overlays_trampoline_lowered:
0x8: {  	[smem:$0x3FAD] =	sst s0  }
0x9: {  	[smem:$0x3FAE] =	sst s1  }
0xa: {  	[smem:$0x3FAF] =	sst s2  }
0xb: {  	[smem:$0x3FB0] =	sst s3  }
0xc: {  	[smem:$0x3FB1] =	sst s4  }
0xd: {  	[smem:$0x3FB2] =	sst s5  }
0xe: {  	[smem:$0x3FB3] =	sst s6  }
0xf: {  	[smem:$0x3FB4] =	sst s7  }
0x10: {  	[smem:$0x3FB5] =	sst s8  }
0x11: {  	[smem:$0x3FB6] =	sst s9;
	s0 =	simm.s32 @!p0 $0x0  }
0x12: {  	s1 =	sld [smem:$0x3F9C];
	s0 =	simm.s32 @p0 $0x1  }
0x13: {  	[smem:$0x3FB7] =	sst s0;
	s0 =	simm.s32 @!p1 $0x0  }
0x14: {  	s2 =	sld [smem:$0x3F9B];
	s0 =	simm.s32 @p1 $0x1  }
0x15: {  	[smem:$0x3FB8] =	sst s0;
	s0 =	simm.s32 @!p2 $0x0  }
0x16: {  	s3 =	sld [smem:$0x3FDB];
	s0 =	simm.s32 @p2 $0x1  }
0x17: {  	s4 =	simm.s32 $0x1BF5;
	[smem:$0x3FBA] =	sst s0  }
0x18: {  	s0 =	sld [smem:$0x3F9D];
	_ =	swait.ge [sflag:s4], $0x0  }
0x19: {  	s7 =	sld [smem:$0x3F9E]  }
0x1a: {  	s8 =	sadd.s32 $0xFFFFE003, lr  }
0x1b: {  	s9 =	sadd.s32 $0xFFFFFEF7, lr;
	s5 =	simm.s32 $0xFFFFFFFF;
	p2 =	slt.u32 s8, $0xFFFFF086  }
0x1c: {  	p1 =	slt.u32 s9, $0xF7A;
	s5 =	simm.s32 @!p2 $0x0  }
0x1d: {  	s5 =	simm.s32 @p1 $0x1;
	p0 =	seq.s32 s7, s2  }
0x1e: {  	s7 =	smul.u32 @!p0 $0xF7A, s2;
	p2 =	seq.s32 @!p0 s5, $0x0  }
0x1f: {  	s9 =	smul.u32 $0xF7A, s1;
	s8 =	simm.s32 @!p0 $0x1BF5;
	p2 =	por !p2, p0  }
0x20: {  	[sflag:s8] =	ssyncset.s32 @!p0 $0xFFFFF086;
	s6 =	sadd.s32 @!p0 s3, s7;
	s7 =	simm.s32 @!p0 $0x108  }
0x21: {  	s3 =	sadd.s32 s3, s9;
	s6 =	sadd.s32 @!p0 $0x88, s6;
	s7 =	simm.s32 @p2 $0x1082  }
0x22: {  	[simem:s7], [sflag:s8] =	dma.local @!p0 [hbm:s6], $0xF7A  }
0x23: {  	s9 =	sor.u32 $0xD0000000, s2;
	s6 =	simm.s32 $0x108;
	_ =	swait.ge @!p0 [sflag:s8], $0x0  }
0x24: {  	s3 =	sadd.s32 $0x88, s3;
	s6 =	simm.s32 @!p1 $0x1082;
	[sflag:s4] =	ssyncset.s32 $0xFFFFF086  }
0x25: {  	[simem:s6], [sflag:s4] =	dma.local [hbm:s3], $0xF7A  }
0x26: {  	[smem:$0x3F9E] =	sst s1;
	(tag) =	ssettag s2;
	_ =	strace s9  }
0x27: {  	s1 =	sld [smem:$0x3FAE]  }
0x28: {  	s2 =	sld [smem:$0x3FAF]  }
0x29: {  	s4 =	sld [smem:$0x3FB1]  }
0x2a: {  	p0 =	seq.s32 s5, $0x0;
	s5 =	sld [smem:$0x3FB2]  }
0x2b: {  	s6 =	sld [smem:$0x3FB3]  }
0x2c: {  	s7 =	sld [smem:$0x3FB4]  }
0x2d: {  	s3 =	simm.s32 $0x108;
	s8 =	sld [smem:$0x3FB5]  }
0x2e: {  	s3 =	simm.s32 @!p0 $0x1082;
	s9 =	sld [smem:$0x3FB6]  }
0x2f: {  	lr =	sadd.s32 s0, s3;
	s0 =	sld [smem:$0x3FAD]  }
0x30: {  	s3 =	sld [smem:$0x3FB0]  }
0x31: {  	[smem:$0x3FB9] =	sst s10  }
0x32: {  	s10 =	sld [smem:$0x3FB7];
	_ =	sdelay $0x3  }
0x33: {  	p0 =	seq.s32 s10, $0x1;
	s10 =	sld [smem:$0x3FB9];
	_ =	sdelay $0x3  }
0x34: {  	[smem:$0x3FB9] =	sst s10  }
0x35: {  	s10 =	sld [smem:$0x3FB8];
	_ =	sdelay $0x3  }
0x36: {  	p1 =	seq.s32 s10, $0x1;
	s10 =	sld [smem:$0x3FB9];
	_ =	sdelay $0x3  }
0x37: {  	[smem:$0x3FB9] =	sst s10  }
0x38: {  	s10 =	sld [smem:$0x3FBA]  }
0x39: {  	_ = 	snop;
	(pc) =	sbr.ind lr, $3  }
0x3a: {  	_ = 	snop  }
0x3b: {  	_ = 	snop  }
0x3c: {  	p2 =	seq.s32 s10, $0x1;
	s10 =	sld [smem:$0x3FB9]  }
0x3d: {  	_ =	shalt  }
0x3e: {  	_ =	shalt  }
0x3f: {  	_ =	shalt  }
0x40: {  	_ =	shalt  }
0x41: {  	_ =	shalt  }
0x42: {  	_ =	shalt  }
0x43: {  	_ =	shalt  }
0x44: {  	_ =	shalt  }
0x45: {  	_ =	shalt  }
0x46: {  	_ =	shalt  }
0x47: {  	_ =	shalt  }
0x48: {  	_ =	shalt  }
0x49: {  	_ =	shalt  }
0x4a: {  	_ =	shalt  }
0x4b: {  	_ =	shalt  }
0x4c: {  	_ =	shalt  }
0x4d: {  	_ =	shalt  }
0x4e: {  	_ =	shalt  }
0x4f: {  	_ =	shalt  }
0x50: {  	_ =	shalt  }
0x51: {  	_ =	shalt  }
0x52: {  	_ =	shalt  }
0x53: {  	_ =	shalt  }
0x54: {  	_ =	shalt  }
0x55: {  	_ =	shalt  }
0x56: {  	_ =	shalt  }
0x57: {  	_ =	shalt  }
0x58: {  	_ =	shalt  }
0x59: {  	_ =	shalt  }
0x5a: {  	_ =	shalt  }
0x5b: {  	_ =	shalt  }
0x5c: {  	_ =	shalt  }
0x5d: {  	_ =	shalt  }
0x5e: {  	_ =	shalt  }
0x5f: {  	_ =	shalt  }
0x60: {  	_ =	shalt  }
0x61: {  	_ =	shalt  }
0x62: {  	_ =	shalt  }
0x63: {  	_ =	shalt  }
0x64: {  	_ =	shalt  }
0x65: {  	_ =	shalt  }
0x66: {  	_ =	shalt  }
0x67: {  	_ =	shalt  }
0x68: {  	_ =	shalt  }
0x69: {  	_ =	shalt  }
0x6a: {  	_ =	shalt  }
0x6b: {  	_ =	shalt  }
0x6c: {  	_ =	shalt  }
0x6d: {  	_ =	shalt  }
0x6e: {  	_ =	shalt  }
0x6f: {  	_ =	shalt  }
0x70: {  	_ =	shalt  }
0x71: {  	_ =	shalt  }
0x72: {  	_ =	shalt  }
0x73: {  	_ =	shalt  }
0x74: {  	_ =	shalt  }
0x75: {  	_ =	shalt  }
0x76: {  	_ =	shalt  }
0x77: {  	_ =	shalt  }
0x78: {  	_ =	shalt  }
0x79: {  	_ =	shalt  }
0x7a: {  	_ =	shalt  }
0x7b: {  	_ =	shalt  }
0x7c: {  	_ =	shalt  }
0x7d: {  	_ =	shalt  }
0x7e: {  	_ =	shalt  }
0x7f: {  	_ =	shalt  }
0x80: {  	_ =	shalt  }
0x81: {  	_ =	shalt  }
0x82: {  	_ =	shalt  }
0x83: {  	_ =	shalt  }
0x84: {  	_ =	shalt  }
0x85: {  	_ =	shalt  }
0x86: {  	_ =	shalt  }
0x87: {  	_ =	shalt  }
.Lfunc_end0:
.L_simem_size_0:
called_computation.2_lowered:
.L_overlay_start_0:
0x88: {  	s2 =	sld [smem:$0x3FD9]  }
0x89: {  	s3 =	sld [smem:$0x3FFE];
	_ =	sdelay $0x1  }
0x8a: {  	s1 =	srdreg.scid  }
0x8b: {  	s0 =	sand.u32 $0x1, s1  }
0x8c: {  	s14 =	sshll.u32 s0, $0xA;
	s2 =	sadd.s32 s3, s2  }
0x8d: {  	s2 =	sadd.s32 s2, s14  }
0x8e: {  	[smem:$0x3FC5] =	sst s2  }
0x8f: {  	_ = 	snop  }
0x90: {  	s2 =	sld [smem:$0x3FD0];
	_ =	sdelay $0x2  }
0x91: {  	s15 =	simm.s32 $0xB;
	s4 =	simm.s32 $0x10  }
0x92: {  	[smem:s4], [sflag:s15] =	dma.local [hbm:s2], $0x1  }
0x93: {  	_ =	swait.eq [sflag:s15], $0x1  }
0x94: {  	[sflag:s15] =	ssyncset.done $0x0  }
0x95: {  	s16 =	sld [smem:$0x10];
	[sflag:s15] =	ssyncadd.s32 $0xFFFFFFFF  }
0x96: {  	s17 =	sld [smem:$0x11];
	(tm) =	ssettm $0x1  }
0x97: {  	s18 =	sld [smem:$0x3FFB];
	_ =	sdelay $0x3  }
0x98: {  	_ =	strace s18  }
0x99: {  	s4 =	sld [smem:$0x3FFC];
	_ =	sdelay $0x3  }
0x9a: {  	_ =	strace s4  }
0x9b: {  	s4 =	sld [smem:$0x3FFD];
	_ =	sdelay $0x3  }
0x9c: {  	_ =	strace s4  }
0x9d: {  	_ =	strace $0x8FFFFFFF  }
0x9e: {  	s19 =	sld [smem:$0x3FDB];
	_ =	sdelay $0x1  }
0x9f: {  	s5 =	simm.s32 $_scs_section_size  }
0xa0: {  	s6 =	simm.s32 $_size__tile_overlayer_lowered;
	s7 =	simm.s32 $_tile_overlayer_lowered  }
0xa1: {  	s22 =	simm.s32 $0x1BFF;
	s21 =	sshll.u32 s7, $0x1;
	s4 =	sadd.s32 s5, s19  }
0xa2: {  	s8 =	simm.s32 $0x0;
	s20 =	sshll.u32 s6, $0x1;
	s6 =	sadd.s32 s21, s4  }
0xa3: {  	[timem:s8], [sflag:s22] =	dma.local [hbm:s6], s20  }
0xa4: {  	_ =	swait.ge [sflag:s22], s20  }
0xa5: {  	s5 =	ssub.s32 $0x0, s20;
	[sflag:s22] =	ssyncset.done $0x0  }
0xa6: {  	[sflag:s22] =	ssyncadd.s32 s5;
	_ =	sdelay $0x1  }
0xa7: {  	s23 =	simm.s32 $0x1B8B  }
0xa8: {  	_ =	swait.ge [sflag:s23], $0x1  }
0xa9: {  	[sflag:s23] =	ssyncset.done $0x0  }
0xaa: {  	s25 =	simm.s32 $0x1B8E;
	s24 =	sld [smem:$0x3FFE];
	[sflag:s23] =	ssyncadd.s32 $0xFFFFFFFF  }
0xab: {  	s26 =	simm.s32 $execute0_lowered;
	[smem:$0x3FD2] =	sst s25  }
0xac: {  	s6 =	sshll.u32 s26, $0x1;
	_ =	strace $0x80000046;
	[dreg:$0x1] =	wrdreg $0xFFFFFFFF  }
0xad: {  	s28 =	simm.s32 $_size_execute0_lowered;
	s4 =	sadd.s32 s4, s6;
	[dreg:$0x0] =	wrdreg $0x0  }
0xae: {  	s6 =	sshll.u32 s28, $0x1;
	[dreg:$0x2] =	wrdreg s4  }
0xaf: {  	[dreg:$0x3] =	wrdreg s6  }
0xb0: {  	[dreg:$0x4] =	wrdreg $0xC0  }
0xb1: {  	_ =	task [dreg:s8], $0x5FFFF  }
0xb2: {  	[dreg:$0x1] =	wrdreg $0xFFFFFFFF  }
0xb3: {  	[dreg:$0x0] =	wrdreg $0x60  }
0xb4: {  	[dreg:$0x2] =	wrdreg s24  }
0xb5: {  	[dreg:$0x3] =	wrdreg s16  }
0xb6: {  	[dreg:$0x4] =	wrdreg s17  }
0xb7: {  	[dreg:$0x5] =	wrdreg $0x9  }
0xb8: {  	_ =	task.clear_ibuf [dreg:s8], $0x6FFFF;
	_ =	strace $0x90000046  }
0xb9: {  	s29 =	simm.s32 $0x9;
	_ =	strace $0x80000048  }
0xba: {  	_ =	swait.ge [sflag:s29], $0x1  }
0xbb: {  	[sflag:s29] =	ssyncadd.s32 $0xFFFFFFFF  }
0xbc: {  	_ =	strace $0x90000048  }
0xbd: {  	_ =	sfence  }
0xbe: {  	s30 =	sld [smem:$0x0];
	_ =	sdelay $0x2  }
0xbf: {  	s31 =	sshll.u32 s1, $0xD;
	s1 =	sshrl.u32 s1, $0x2  }
0xc0: {  	s3 =	sand.u32 $0x4000, s31;
	s1 =	sadd.s32 s1, s30  }
0xc1: {  	s0 =	sor.u32 s3, s0;
	s1 =	sshll.u32 s1, $0x11  }
0xc2: {  	s0 =	sor.u32 s1, s0  }
0xc3: {  	s0 =	sadd.s32 $0x8F2B, s0  }
0xc4: {  	[sflag:s0] =	ssyncadd.remote.s32 $0x1  }
0xc5: {  	_ =	sfence.sel $0xFFFF  }
0xc6: {  	[dreg:$0x0] =	wrdreg $0xFFFFFFFF;
	(pc) =	sbr.abs _section_cstart, $3  }
0xc7: {  	[dreg:$0x1] =	wrdreg $0xFFFFFFFF  }
0xc8: {  	_ =	task.clear_ibuf [dreg:s8], $0x2FFFF;
	_ =	strace $0x9FFFFFFF  }
0xc9: {  	(tm) =	ssettm $0x7FFFFFFF  }
tec
execute0_lowered:
.L_overlay_start_1:
0x0: {  	(tag) =	ssettag $0x1  }
0x1: {  	s0 =	rddreg [dreg:$0x0]  }
0x2: {  	s1 =	rddreg [dreg:$0x1]  }
0x3: {  	s23 =	rddreg [dreg:$0x2];
	s3 =	simm.s32 $0x0;
	s2 =	srdreg.scid  }
0x4: {  	s11 =	stileid.u32;
	s28 =	simm.s32 $0x200;
	s29 =	simm.s32 $0x8500  }
0x5: {  	s30 =	simm.s32 $0x3;
	s31 =	simm.s32 $0x2;
	s13 =	simm.s32 $0x12500  }
0x6: {  	[smem:$0x7FF] =	sst s3;
	s2 =	sand.u32 $0x1, s2;
	s4 =	sshll.u32 s11, $0x1  }
0x7: {  	s12 =	sadd.s32 $0xCAE00, s0;
	s5 =	sadd.s32 $0xC4A00, s0;
	s9 =	smul.u32 $0x6400, s11  }
0x8: {  	s6 =	sadd.s32 $0x1400, s0;
	s19 =	smul.u32 $0x32000, s11;
	p0 =	sgt.u32 s11, $0x7  }
0x9: {  	s11 =	simm.s32 $0xE500;
	_ =	strace $0x80000047;
	s10 =	smul.u32 $0x3200, s2  }
0xa: {  	s7 =	ssub.s32 $0x2, s2;
	s4 =	sor.u32 s2, s4;
	s2 =	smul.u32 $0x19000, s2  }
0xb: {  	[dreg:$0x4] =	wrdreg s12;
	s8 =	sshrl.u32 s7, $0x1;
	s4 =	smul.u32 $0x3200, s4  }
0xc: {  	s14 =	ssub.s32 s7, s8;
	s10 =	sadd.s32 s10, s9;
	s2 =	sadd.s32 s2, s19  }
0xd: {  	s19 =	simm.s32 $0x1;
	s9 =	simm.s32 $0x10500;
	s15 =	sadd.s32 $0xFFFCE000, s4  }
0xe: {  	s16 =	sadd.s32 $0xFFFCE280, s4;
	s4 =	sshrl.u32 s4, $0x3;
	s20 =	sadd.s32 $0x780, s10  }
0xf: {  	s0 =	smax.u32 s14, $0x1;
	s22 =	sshll.u32 s10, $0x3;
	s25 =	sadd.s32 $0x500, s10  }
0x10: {  	[dreg:$0xa] =	wrdreg s2;
	s26 =	sadd.s32 s1, s2;
	s14 =	simm.s32 $0x400  }
0x11: {  	s2 =	simm.s32 $0x6;
	s7 =	sshrl.u32 s15, $0x3;
	[dreg:$0x9] =	wrdreg s0  }
0x12: {  	s8 =	sshrl.u32 s16, $0x3;
	s18 =	sadd.s32 s12, s4;
	[dreg:$0xd] =	wrdreg s25  }
0x13: {  	s21 =	sshrl.u32 s20, $0x3;
	s24 =	sadd.s32 s1, s22;
	[dreg:$0xe] =	wrdreg s26  }
0x14: {  	s20 =	simm.s32 $0x80;
	s25 =	simm.s32 $0x180;
	s26 =	simm.s32 $0x6500  }
0x15: {  	s1 =	simm.s32 $0x300;
	s16 =	simm.s32 $0x480;
	s15 =	simm.s32 $0x0  }
0x16: {  	s7 =	sadd.s32 s5, s7;
	s17 =	sadd.s32 s5, s8;
	[dreg:$0x7] =	wrdreg s18  }
.Ltmp0:
0x17: {  	s0 =	sadd.s32 s21, s12;
	[dreg:$0x5] =	wrdreg s7;
	(pc) =	sbr.rel .LBB2_1-.Ltmp0, $4  }
0x18: {  	s21 =	simm.s32 $0x500;
	s8 =	simm.s32 $0x380;
	[dreg:$0x6] =	wrdreg s17  }
0x19: {  	s12 =	simm.s32 $0x4;
	s7 =	sadd.s32 $0x50, s18;
	[dreg:$0xb] =	wrdreg s0  }
0x1a: {  	s0 =	sadd.s32 $0x1400, s24;
	s18 =	simm.s32 $0x280;
	[dreg:$0x8] =	wrdreg s7  }
0x1b: {  	[dreg:$0xc] =	wrdreg s0;
	s0 =	simm.s32 $0xA500;
	s7 =	simm.s32 $0xC500  }
.LBB2_8:
0x1c: {  	s4 =	simm.s32 $0x5  }
0x1d: {  	_ =	swait.ge [sflag:s4], $0xA000  }
0x1e: {  	[sflag:s4] =	ssyncset.done $0x0  }
0x1f: {  	[sflag:s4] =	ssyncadd.s32 $0xFFFF6000  }
0x20: {  	_ =	swait.ge [sflag:s2], $0xA000  }
0x21: {  	s15 =	rddreg [dreg:$0xf]  }
0x22: {  	s24 =	rddreg [dreg:$0x9];
	s15 =	sadd.s32 $0x1, s15  }
0x23: {  	p1 =	sne.s32 s15, s24  }
.Ltmp1:
0x24: {  	_ = 	snop;
	(pc) =	sbr.rel @!p1 .LBB2_9-.Ltmp1, $3  }
0x25: {  	_ =	sdelay $0x1  }
0x26: {  	[sflag:s2] =	ssyncset.done $0x0  }
0x27: {  	[sflag:s2] =	ssyncadd.s32 $0xFFFF6000  }
.LBB2_1:
.Ltmp2:
0x28: {  	(pc) =	sbr.rel @p0 .LBB2_5-.Ltmp2, $2  }
0x29: {  	_ =	sdelay $0x2  }
0x2a: {  	[dreg:$0xf] =	wrdreg s15  }
0x2b: {  	s15 =	rddreg [dreg:$0x7]  }
0x2c: {  	s24 =	smov.u32 s23;
	s23 =	rddreg [dreg:$0x8]  }
0x2d: {  	s4 =	simm.s32 $0x0;
	s17 =	rddreg [dreg:$0xb]  }
0x2e: {  	[tilespmem:s4], [sflag:$0x1] =	stream.linear.gather [hbm4b:s15+s4], $0x280, $0x38;
	[tilespmem:$0x14500] =	vst v63  }
0x2f: {  	s15 =	rddreg [dreg:$0xd]  }
0x30: {  	[tilespmem:s18], [sflag:$0x2] =	stream.linear.gather [hbm4b:s23+s4], $0x280, $0x38;
	[tilespmem:$0x14500] =	vst v63  }
.LBB2_3:
0x31: {  	p1 =	seq.s32 s4, $0x0  }
0x32: {  	s22 =	simm.s32 @!p1 $0x5  }
0x33: {  	_ =	swait.ge @!p1 [sflag:s22], $0xA000  }
0x34: {  	[sflag:s22] =	ssyncset.done @!p1 $0x0  }
0x35: {  	[sflag:s22] =	ssyncadd.s32 @!p1 $0xFFFF6000  }
0x36: {  	_ =	swait.ge [sflag:s19], $0x280  }
0x37: {  	[sflag:s19] =	ssyncset.done $0x0  }
0x38: {  	[sflag:s19] =	ssyncadd.s32 $0xFFFFFD80  }
0x39: {  	[tilespmem:s21], [sflag:$0x3] =	stream.indirect.gather [hbm4b:s6+s20], $0x40, s3, s20, $0xb8;
	[tilespmem:$0x14500] =	vst v63  }
0x3a: {  	s23 =	simm.s32 $0x2500  }
0x3b: {  	[tilespmem:s23], [sflag:$0x3] =	stream.indirect.gather [hbm4b:s6+s20], $0x40, s20, s20, $0xb8;
	[tilespmem:$0x14500] =	vst v63  }
0x3c: {  	s22 =	simm.s32 $0x100;
	s23 =	simm.s32 $0x4500  }
0x3d: {  	[tilespmem:s23], [sflag:$0x3] =	stream.indirect.gather [hbm4b:s6+s20], $0x40, s22, s20, $0xb8;
	[tilespmem:$0x14500] =	vst v63  }
0x3e: {  	_ = 	snop  }
0x3f: {  	[tilespmem:s26], [sflag:$0x3] =	stream.indirect.gather [hbm4b:s6+s20], $0x40, s25, s20, $0xb8;
	[tilespmem:$0x14500] =	vst v63  }
0x40: {  	_ = 	snop  }
0x41: {  	[tilespmem:s29], [sflag:$0x3] =	stream.indirect.gather [hbm4b:s6+s20], $0x40, s28, s20, $0xb8;
	[tilespmem:$0x14500] =	vst v63  }
0x42: {  	_ =	swait.ge [sflag:s30], $0x2000  }
0x43: {  	[sflag:s30] =	ssyncset.done $0x0  }
0x44: {  	[sflag:s30] =	ssyncadd.s32 $0xFFFFE000  }
0x45: {  	_ =	swait.ge [sflag:s30], $0x2000  }
0x46: {  	[sflag:s30] =	ssyncset.done $0x0  }
0x47: {  	[sflag:s30] =	ssyncadd.s32 $0xFFFFE000  }
0x48: {  	_ =	swait.ge [sflag:s30], $0x2000  }
0x49: {  	[sflag:s30] =	ssyncset.done $0x0  }
0x4a: {  	[sflag:s30] =	ssyncadd.s32 $0xFFFFE000  }
0x4b: {  	_ =	swait.ge [sflag:s30], $0x2000  }
0x4c: {  	[sflag:s30] =	ssyncset.done $0x0  }
0x4d: {  	[sflag:s30] =	ssyncadd.s32 $0xFFFFE000  }
0x4e: {  	_ =	swait.ge [sflag:s30], $0x2000  }
0x4f: {  	[sflag:s30] =	ssyncset.done $0x0;
	s23 =	rddreg [dreg:$0xe]  }
0x50: {  	p1 =	seq.s32 s4, $0x16800;
	[sflag:s30] =	ssyncadd.s32 $0xFFFFE000;
	s22 =	sadd.s32 s4, s23  }
0x51: {  	[hbm4b:s22+s3] =	stream.linear.scatter [tilespmem:s21], [sflag:$0x5], $0xA000, $0x38;
	[tilespmem:$0x14500] =	vst v63  }
0x52: {  	p2 =	seq.s32 @!p1 s4, $0x0;
	s23 =	rddreg [dreg:$0x4];
	s22 =	sshrl.u32 @!p1 s15, $0x3  }
0x53: {  	p2 =	por p1, !p2;
	s22 =	sadd.s32 @!p1 s23, s22;
	s23 =	simm.s32 @!p1 $0x0  }
0x54: {  	[tilespmem:s23], [sflag:$0x1] =	stream.linear.gather @!p1 [hbm4b:s22+s23], $0x280, $0x38;
	[tilespmem:$0x14500] =	vst v63  }
0x55: {  	_ =	swait.ge @p2 [sflag:s2], $0xA000  }
0x56: {  	[sflag:s2] =	ssyncset.done @p2 $0x0  }
0x57: {  	[sflag:s2] =	ssyncadd.s32 @p2 $0xFFFF6000  }
0x58: {  	_ =	swait.ge [sflag:s31], $0x280  }
0x59: {  	[sflag:s31] =	ssyncset.done $0x0  }
0x5a: {  	[sflag:s31] =	ssyncadd.s32 $0xFFFFFD80  }
0x5b: {  	[tilespmem:s0], [sflag:$0x4] =	stream.indirect.gather [hbm4b:s6+s20], $0x40, s18, s20, $0xb8;
	[tilespmem:$0x14500] =	vst v63  }
0x5c: {  	_ = 	snop  }
0x5d: {  	[tilespmem:s7], [sflag:$0x4] =	stream.indirect.gather [hbm4b:s6+s20], $0x40, s1, s20, $0xb8;
	[tilespmem:$0x14500] =	vst v63  }
0x5e: {  	_ = 	snop  }
0x5f: {  	[tilespmem:s11], [sflag:$0x4] =	stream.indirect.gather [hbm4b:s6+s20], $0x40, s8, s20, $0xb8;
	[tilespmem:$0x14500] =	vst v63  }
0x60: {  	_ = 	snop  }
0x61: {  	[tilespmem:s9], [sflag:$0x4] =	stream.indirect.gather [hbm4b:s6+s20], $0x40, s14, s20, $0xb8;
	[tilespmem:$0x14500] =	vst v63  }
0x62: {  	_ = 	snop  }
0x63: {  	[tilespmem:s13], [sflag:$0x4] =	stream.indirect.gather [hbm4b:s6+s20], $0x40, s16, s20, $0xb8;
	[tilespmem:$0x14500] =	vst v63  }
0x64: {  	_ =	swait.ge [sflag:s12], $0x2000  }
0x65: {  	[sflag:s12] =	ssyncset.done $0x0  }
0x66: {  	[sflag:s12] =	ssyncadd.s32 $0xFFFFE000  }
0x67: {  	_ =	swait.ge [sflag:s12], $0x2000  }
0x68: {  	[sflag:s12] =	ssyncset.done $0x0  }
0x69: {  	[sflag:s12] =	ssyncadd.s32 $0xFFFFE000  }
0x6a: {  	_ =	swait.ge [sflag:s12], $0x2000  }
0x6b: {  	[sflag:s12] =	ssyncset.done $0x0  }
0x6c: {  	[sflag:s12] =	ssyncadd.s32 $0xFFFFE000  }
0x6d: {  	_ =	swait.ge [sflag:s12], $0x2000  }
0x6e: {  	[sflag:s12] =	ssyncset.done $0x0  }
.Ltmp3:
0x6f: {  	[sflag:s12] =	ssyncadd.s32 $0xFFFFE000;
	(pc) =	sbr.rel @p1 .LBB2_8-.Ltmp3, $4  }
0x70: {  	_ =	swait.ge [sflag:s12], $0x2000  }
0x71: {  	[sflag:s12] =	ssyncset.done $0x0;
	s23 =	rddreg [dreg:$0xc]  }
0x72: {  	[sflag:s12] =	ssyncadd.s32 $0xFFFFE000;
	s22 =	sadd.s32 s4, s23;
	s23 =	smov.u32 s24  }
0x73: {  	[hbm4b:s22+s3] =	stream.linear.scatter [tilespmem:s0], [sflag:$0x6], $0xA000, $0x38;
	[tilespmem:$0x14500] =	vst v63  }
.Ltmp4:
0x74: {  	(pc) =	sbr.rel .LBB2_3-.Ltmp4, $3  }
0x75: {  	_ =	sdelay $0x1  }
0x76: {  	[tilespmem:s18], [sflag:$0x2] =	stream.linear.gather [hbm4b:s17+s3], $0x280, $0x38;
	[tilespmem:$0x14500] =	vst v63  }
0x77: {  	s17 =	sadd.s32 $0xA0, s17;
	s4 =	sadd.s32 $0x2800, s4;
	s15 =	sadd.s32 $0x500, s15  }
.LBB2_5:
0x78: {  	s15 =	rddreg [dreg:$0x5]  }
0x79: {  	s4 =	simm.s32 $0x0;
	s24 =	rddreg [dreg:$0x6]  }
0x7a: {  	[tilespmem:s4], [sflag:$0x1] =	stream.linear.gather [hbm4b:s15+s4], $0x280, $0x38;
	[tilespmem:$0x14500] =	vst v63  }
0x7b: {  	s15 =	rddreg [dreg:$0xa]  }
0x7c: {  	[tilespmem:s18], [sflag:$0x2] =	stream.linear.gather [hbm4b:s24+s4], $0x280, $0x38;
	[tilespmem:$0x14500] =	vst v63  }
.LBB2_6:
0x7d: {  	p1 =	seq.s32 s4, $0x0  }
0x7e: {  	s17 =	simm.s32 @!p1 $0x5  }
0x7f: {  	_ =	swait.ge @!p1 [sflag:s17], $0xA000  }
0x80: {  	[sflag:s17] =	ssyncset.done @!p1 $0x0  }
0x81: {  	[sflag:s17] =	ssyncadd.s32 @!p1 $0xFFFF6000  }
0x82: {  	_ =	swait.ge [sflag:s19], $0x280  }
0x83: {  	[sflag:s19] =	ssyncset.done $0x0  }
0x84: {  	[sflag:s19] =	ssyncadd.s32 $0xFFFFFD80  }
0x85: {  	[tilespmem:s21], [sflag:$0x3] =	stream.indirect.gather [hbm4b:s6+s20], $0x40, s3, s20, $0xb8;
	[tilespmem:$0x14500] =	vst v63  }
0x86: {  	s22 =	simm.s32 $0x2500  }
0x87: {  	[tilespmem:s22], [sflag:$0x3] =	stream.indirect.gather [hbm4b:s6+s20], $0x40, s20, s20, $0xb8;
	[tilespmem:$0x14500] =	vst v63  }
0x88: {  	s24 =	simm.s32 $0x100;
	s22 =	simm.s32 $0x4500  }
0x89: {  	[tilespmem:s22], [sflag:$0x3] =	stream.indirect.gather [hbm4b:s6+s20], $0x40, s24, s20, $0xb8;
	[tilespmem:$0x14500] =	vst v63  }
0x8a: {  	_ = 	snop  }
0x8b: {  	[tilespmem:s26], [sflag:$0x3] =	stream.indirect.gather [hbm4b:s6+s20], $0x40, s25, s20, $0xb8;
	[tilespmem:$0x14500] =	vst v63  }
0x8c: {  	_ = 	snop  }
0x8d: {  	[tilespmem:s29], [sflag:$0x3] =	stream.indirect.gather [hbm4b:s6+s20], $0x40, s28, s20, $0xb8;
	[tilespmem:$0x14500] =	vst v63  }
0x8e: {  	_ =	swait.ge [sflag:s30], $0x2000  }
0x8f: {  	[sflag:s30] =	ssyncset.done $0x0  }
0x90: {  	[sflag:s30] =	ssyncadd.s32 $0xFFFFE000  }
0x91: {  	_ =	swait.ge [sflag:s30], $0x2000  }
0x92: {  	[sflag:s30] =	ssyncset.done $0x0  }
0x93: {  	[sflag:s30] =	ssyncadd.s32 $0xFFFFE000  }
0x94: {  	_ =	swait.ge [sflag:s30], $0x2000  }
0x95: {  	[sflag:s30] =	ssyncset.done $0x0  }
0x96: {  	[sflag:s30] =	ssyncadd.s32 $0xFFFFE000  }
0x97: {  	_ =	swait.ge [sflag:s30], $0x2000  }
0x98: {  	[sflag:s30] =	ssyncset.done $0x0  }
0x99: {  	[sflag:s30] =	ssyncadd.s32 $0xFFFFE000  }
0x9a: {  	s22 =	sadd.s32 $0xFFE70000, s15;
	_ =	swait.ge [sflag:s30], $0x2000  }
0x9b: {  	s17 =	sand.u32 $0x1FFFF800, s22;
	[sflag:s30] =	ssyncset.done $0x0  }
0x9c: {  	p1 =	seq.s32 s4, $0x2D00;
	s17 =	sadd.s32 s23, s17;
	[sflag:s30] =	ssyncadd.s32 $0xFFFFE000  }
0x9d: {  	[hbm4b:s17+s3] =	stream.linear.scatter [tilespmem:s21], [sflag:$0x5], $0xA000, $0x38;
	[tilespmem:$0x14500] =	vst v63  }
0x9e: {  	s17 =	sadd.s32 @!p1 s4, s10  }
0x9f: {  	s17 =	sadd.s32 @!p1 $0xFFFCE500, s17  }
0xa0: {  	p2 =	seq.s32 @!p1 s4, $0x0;
	s17 =	sshrl.u32 @!p1 s17, $0x3  }
0xa1: {  	p2 =	por p1, !p2;
	s22 =	simm.s32 @!p1 $0x0;
	s17 =	sadd.s32 @!p1 s5, s17  }
0xa2: {  	[tilespmem:s22], [sflag:$0x1] =	stream.linear.gather @!p1 [hbm4b:s17+s22], $0x280, $0x38;
	[tilespmem:$0x14500] =	vst v63  }
0xa3: {  	_ =	swait.ge @p2 [sflag:s2], $0xA000  }
0xa4: {  	[sflag:s2] =	ssyncset.done @p2 $0x0  }
0xa5: {  	[sflag:s2] =	ssyncadd.s32 @p2 $0xFFFF6000  }
0xa6: {  	_ =	swait.ge [sflag:s31], $0x280  }
0xa7: {  	[sflag:s31] =	ssyncset.done $0x0  }
0xa8: {  	[sflag:s31] =	ssyncadd.s32 $0xFFFFFD80  }
0xa9: {  	[tilespmem:s0], [sflag:$0x4] =	stream.indirect.gather [hbm4b:s6+s20], $0x40, s18, s20, $0xb8;
	[tilespmem:$0x14500] =	vst v63  }
0xaa: {  	_ = 	snop  }
0xab: {  	[tilespmem:s7], [sflag:$0x4] =	stream.indirect.gather [hbm4b:s6+s20], $0x40, s1, s20, $0xb8;
	[tilespmem:$0x14500] =	vst v63  }
0xac: {  	_ = 	snop  }
0xad: {  	[tilespmem:s11], [sflag:$0x4] =	stream.indirect.gather [hbm4b:s6+s20], $0x40, s8, s20, $0xb8;
	[tilespmem:$0x14500] =	vst v63  }
0xae: {  	_ = 	snop  }
0xaf: {  	[tilespmem:s9], [sflag:$0x4] =	stream.indirect.gather [hbm4b:s6+s20], $0x40, s14, s20, $0xb8;
	[tilespmem:$0x14500] =	vst v63  }
0xb0: {  	_ = 	snop  }
0xb1: {  	[tilespmem:s13], [sflag:$0x4] =	stream.indirect.gather [hbm4b:s6+s20], $0x40, s16, s20, $0xb8;
	[tilespmem:$0x14500] =	vst v63  }
0xb2: {  	_ =	swait.ge [sflag:s12], $0x2000  }
0xb3: {  	[sflag:s12] =	ssyncset.done $0x0  }
0xb4: {  	[sflag:s12] =	ssyncadd.s32 $0xFFFFE000  }
0xb5: {  	_ =	swait.ge [sflag:s12], $0x2000  }
0xb6: {  	[sflag:s12] =	ssyncset.done $0x0  }
0xb7: {  	[sflag:s12] =	ssyncadd.s32 $0xFFFFE000  }
0xb8: {  	_ =	swait.ge [sflag:s12], $0x2000  }
0xb9: {  	[sflag:s12] =	ssyncset.done $0x0  }
0xba: {  	[sflag:s12] =	ssyncadd.s32 $0xFFFFE000  }
0xbb: {  	_ =	swait.ge [sflag:s12], $0x2000  }
0xbc: {  	[sflag:s12] =	ssyncset.done $0x0  }
.Ltmp5:
0xbd: {  	[sflag:s12] =	ssyncadd.s32 $0xFFFFE000;
	(pc) =	sbr.rel @p1 .LBB2_8-.Ltmp5, $4  }
0xbe: {  	s24 =	sadd.s32 $0xFFE71400, s15;
	_ =	swait.ge [sflag:s12], $0x2000  }
0xbf: {  	s17 =	sand.u32 $0x1FFFFC00, s24;
	[sflag:s12] =	ssyncset.done $0x0  }
0xc0: {  	s17 =	sadd.s32 s23, s17;
	[sflag:s12] =	ssyncadd.s32 $0xFFFFE000  }
0xc1: {  	[hbm4b:s17+s3] =	stream.linear.scatter [tilespmem:s0], [sflag:$0x6], $0xA000, $0x38;
	[tilespmem:$0x14500] =	vst v63  }
.Ltmp6:
0xc2: {  	s17 =	sadd.s32 s4, s10;
	(pc) =	sbr.rel .LBB2_6-.Ltmp6, $4  }
0xc3: {  	s17 =	sadd.s32 $0xFFFCE780, s17  }
0xc4: {  	s17 =	sshrl.u32 s17, $0x3  }
0xc5: {  	s4 =	sadd.s32 $0x500, s4;
	s15 =	sadd.s32 $0x2800, s15;
	s17 =	sadd.s32 s5, s17  }
0xc6: {  	[tilespmem:s18], [sflag:$0x2] =	stream.linear.gather [hbm4b:s17+s3], $0x280, $0x38;
	[tilespmem:$0x14500] =	vst v63  }
.LBB2_9:
0xc7: {  	_ =	sfence.sel $0x180000  }
0xc8: {  	[bflag:$0x0] =	sbarrier.arrive $0xFFFF  }
0xc9: {  	_ =	strace $0x90000047  }
0xca: {  	s0 =	stileid.u32;
	[bflag:$0x2] =	sbarrier.arrive $0xFFFF  }
0xcb: {  	p0 =	sne.s32 s0, $0x0;
	s0 =	rddreg [dreg:$0x3]  }
0xcc: {  	s0 =	sadd.s32 @!p0 $0x100000, s0  }
0xcd: {  	[sflag:s0] =	ssyncadd.tile.s32 @!p0 $0x1;
	_ =	shalt  }
.Lfunc_end2:
_tile_overlayer_lowered:
.L_overlay_start_2:
0xce: {  	(tag) =	ssettag $0x2  }
0xcf: {  	s0 =	rddreg [dreg:$0x0];
	s2 =	stileid.u32  }
0xd0: {  	s1 =	rddreg [dreg:$0x1];
	p0 =	sne.s32 s2, $0x0  }
0xd1: {  	s3 =	rddreg [dreg:$0x2];
	[bflag:$0x3] =	sbarrier.arrive $0xFFFF;
	s2 =	simm.s32 @!p0 $0x1C07  }
0xd2: {  	[timem:s3], [sflag:s2] =	dma.local @!p0 [hbm:s0], s1  }
0xd3: {  	s0 =	simm.s32 @!p0 $0x7  }
0xd4: {  	_ =	swait.ge @!p0 [sflag:s0], s1  }
0xd5: {  	s1 =	ssub.s32 @!p0 $0x0, s1;
	[sflag:s0] =	ssyncset.done @!p0 $0x0  }
0xd6: {  	[sflag:s0] =	ssyncadd.s32 @!p0 s1  }
0xd7: {  	[bflag:$0x3] =	sbarrier.arrive $0xFFFF  }
0xd8: {  	_ =	shalt  }

// kernel: sparse-core-data-format-call.1.cloned.1.call-start
scs
called_computation.1_lowered:
.L_overlay_start_0:
0x0: {  	s2 =	sld [smem:$0x3FD9]  }
0x1: {  	s3 =	sld [smem:$0x3FFE];
	_ =	sdelay $0x1  }
0x2: {  	s1 =	srdreg.scid  }
0x3: {  	s0 =	sand.u32 $0x1, s1  }
0x4: {  	s15 =	sshll.u32 s0, $0xA;
	s2 =	sadd.s32 s3, s2  }
0x5: {  	s2 =	sadd.s32 s2, s15  }
0x6: {  	[smem:$0x3FC5] =	sst s2  }
0x7: {  	_ = 	snop  }
0x8: {  	s2 =	sld [smem:$0x3FD0];
	_ =	sdelay $0x2  }
0x9: {  	s16 =	simm.s32 $0xB;
	s4 =	simm.s32 $0x10  }
0xa: {  	[smem:s4], [sflag:s16] =	dma.local [hbm:s2], $0x1  }
0xb: {  	_ =	swait.eq [sflag:s16], $0x1  }
0xc: {  	[sflag:s16] =	ssyncset.done $0x0  }
0xd: {  	[sflag:s16] =	ssyncadd.s32 $0xFFFFFFFF  }
0xe: {  	s17 =	sld [smem:$0x10];
	(tm) =	ssettm $0x1  }
0xf: {  	s18 =	sld [smem:$0x3FFB];
	_ =	sdelay $0x3  }
0x10: {  	_ =	strace s18  }
0x11: {  	s3 =	sld [smem:$0x3FFC];
	_ =	sdelay $0x3  }
0x12: {  	_ =	strace s3  }
0x13: {  	s3 =	sld [smem:$0x3FFD];
	_ =	sdelay $0x3  }
0x14: {  	_ =	strace s3  }
0x15: {  	_ =	strace $0x8FFFFFFF  }
0x16: {  	s19 =	sld [smem:$0x3FDB];
	_ =	sdelay $0x1  }
0x17: {  	s20 =	simm.s32 $_scs_section_size  }
0x18: {  	s5 =	simm.s32 $_size__tile_overlayer_lowered;
	s6 =	simm.s32 $_tile_overlayer_lowered  }
0x19: {  	s23 =	simm.s32 $0x1BFF;
	s22 =	sshll.u32 s6, $0x1;
	s3 =	sadd.s32 s20, s19  }
0x1a: {  	s7 =	simm.s32 $0x0;
	s21 =	sshll.u32 s5, $0x1;
	s5 =	sadd.s32 s22, s3  }
0x1b: {  	[timem:s7], [sflag:s23] =	dma.local [hbm:s5], s21  }
0x1c: {  	_ =	swait.ge [sflag:s23], s21  }
0x1d: {  	s4 =	ssub.s32 $0x0, s21;
	[sflag:s23] =	ssyncset.done $0x0  }
0x1e: {  	[sflag:s23] =	ssyncadd.s32 s4;
	_ =	sdelay $0x1  }
0x1f: {  	s24 =	simm.s32 $0x1B8B  }
0x20: {  	_ =	swait.ge [sflag:s24], $0x1  }
0x21: {  	[sflag:s24] =	ssyncset.done $0x0  }
0x22: {  	s26 =	simm.s32 $0x1B8E;
	s25 =	sld [smem:$0x3FFE];
	[sflag:s24] =	ssyncadd.s32 $0xFFFFFFFF  }
0x23: {  	s27 =	simm.s32 $execute0_lowered;
	[smem:$0x3FD2] =	sst s26  }
0x24: {  	s5 =	sshll.u32 s27, $0x1;
	_ =	strace $0x80000049;
	[dreg:$0x1] =	wrdreg $0xFFFFFFFF  }
0x25: {  	s28 =	simm.s32 $_size_execute0_lowered;
	s3 =	sadd.s32 s3, s5;
	[dreg:$0x0] =	wrdreg $0x0  }
0x26: {  	s5 =	sshll.u32 s28, $0x1;
	[dreg:$0x2] =	wrdreg s3  }
0x27: {  	[dreg:$0x3] =	wrdreg s5  }
0x28: {  	[dreg:$0x4] =	wrdreg $0xC0  }
0x29: {  	_ =	task [dreg:s7], $0x5FFFF  }
0x2a: {  	[dreg:$0x1] =	wrdreg $0xFFFFFFFF  }
0x2b: {  	[dreg:$0x0] =	wrdreg $0x60  }
0x2c: {  	[dreg:$0x2] =	wrdreg s25  }
0x2d: {  	[dreg:$0x3] =	wrdreg s17  }
0x2e: {  	[dreg:$0x4] =	wrdreg $0xA  }
0x2f: {  	_ =	task.clear_ibuf [dreg:s7], $0x5FFFF;
	_ =	strace $0x90000049  }
0x30: {  	s29 =	simm.s32 $0xA;
	_ =	strace $0x8000004B  }
0x31: {  	_ =	swait.ge [sflag:s29], $0x1  }
0x32: {  	[sflag:s29] =	ssyncadd.s32 $0xFFFFFFFF  }
0x33: {  	_ =	strace $0x9000004B  }
0x34: {  	_ =	sfence  }
0x35: {  	s30 =	sld [smem:$0x0];
	_ =	sdelay $0x2  }
0x36: {  	s31 =	sshll.u32 s1, $0xD;
	s1 =	sshrl.u32 s1, $0x2  }
0x37: {  	s3 =	sand.u32 $0x4000, s31;
	s1 =	sadd.s32 s1, s30  }
0x38: {  	s0 =	sor.u32 s3, s0;
	s1 =	sshll.u32 s1, $0x11  }
0x39: {  	s0 =	sor.u32 s1, s0  }
0x3a: {  	s0 =	sadd.s32 $0x8F2B, s0  }
0x3b: {  	[sflag:s0] =	ssyncadd.remote.s32 $0x1  }
0x3c: {  	_ =	sfence.sel $0xFFFF  }
0x3d: {  	[dreg:$0x0] =	wrdreg $0xFFFFFFFF;
	(pc) =	sbr.abs _section_cstart, $3  }
0x3e: {  	[dreg:$0x1] =	wrdreg $0xFFFFFFFF  }
0x3f: {  	_ =	task.clear_ibuf [dreg:s7], $0x2FFFF;
	_ =	strace $0x9FFFFFFF  }
0x40: {  	(tm) =	ssettm $0x7FFFFFFF  }
0x41: {  	_ =	shalt  }
tec
execute0_lowered:
.L_overlay_start_1:
0x0: {  	(tag) =	ssettag $0x1  }
0x1: {  	s0 =	srdreg.scid  }
0x2: {  	s1 =	sshll.u32 s0, $0x4  }
0x3: {  	s5 =	rddreg [dreg:$0x0];
	s0 =	stileid.u32;
	s1 =	sand.u32 $0x10, s1  }
0x4: {  	s3 =	rddreg [dreg:$0x1];
	s31 =	simm.s32 $0x2;
	s4 =	sor.u32 s0, s1  }
0x5: {  	s13 =	simm.s32 $0x0;
	s9 =	simm.s32 $0x400;
	s2 =	sshll.u32 s4, $0x7  }
0x6: {  	s10 =	simm.s32 $0x8000;
	s14 =	simm.s32 $0x0;
	s6 =	ssub.s32 $0x1000, s2  }
0x7: {  	s1 =	rddreg [dreg:$0x2];
	_ =	strace $0x8000004A;
	s7 =	sand.u32 $0xF80, s6  }
0x8: {  	s4 =	sshll.u32 s4, $0xB;
	p0 =	sne.s32 s7, $0x0;
	s7 =	simm.s32 $0x1  }
.Ltmp0:
0x9: {  	s6 =	sshrl.u32 s6, $0xC;
	s7 =	simm.s32 @!p0 $0x0;
	(pc) =	sbr.rel .LBB1_1-.Ltmp0, $4  }
0xa: {  	s8 =	sadd.s32 s4, s5;
	s4 =	simm.s32 $0x1;
	s30 =	sadd.s32 s7, s6  }
0xb: {  	s11 =	simm.s32 $0x0;
	[sflag:s4] =	ssyncpa.u1 $0x0;
	s5 =	smul.u32 $0x19, s30  }
0xc: {  	s12 =	simm.s32 $0x0;
	[sflag:s31] =	ssyncpa.u1 $0x0;
	p0 =	por $0x0, $0x0  }
0xd: {  	s6 =	sadd.s32 $0x1400, s8;
	s7 =	sadd.s32 $0x11400, s8;
	s8 =	sadd.s32 $0x1, s5  }
.LBB1_7:
0xe: {  	s15 =	sadd.s32 $0x2, s11  }
0xf: {  	p2 =	sgt.s32 s15, $0x31  }
0x10: {  	s15 =	simm.s32 @p2 $0x0;
	p2 =	sne.s32 s12, s8  }
.Ltmp1:
0x11: {  	p1 =	slt.u32 s12, $0x2;
	(pc) =	sbr.rel @!p2 .LBB1_8-.Ltmp1, $4  }
0x12: {  	s13 =	simm.s32 @!p1 $0x2  }
0x13: {  	s16 =	sadd.s32 $0x1, s12;
	s14 =	smov.u32 s11;
	_ =	swait.ge @!p1 [sflag:s13], $0x4000  }
0x14: {  	p0 =	por !p0, !p0;
	s12 =	smov.u32 s16;
	[sflag:s13] =	ssyncset.done @!p1 $0x0  }
0x15: {  	s11 =	smov.u32 s15;
	[sflag:s13] =	ssyncadd.s32 @!p1 $0xFFFFC000;
	s13 =	smov.u32 s2  }
.LBB1_1:
0x16: {  	p1 =	sge.u32 s12, s5  }
0x17: {  	s15 =	sxor.u32 @!p1 $0xFFFFFFFF, s12  }
0x18: {  	s16 =	sshll.u32 @!p1 s11, $0x10;
	s18 =	simm.s32 @!p1 $0x40;
	s15 =	sshll.u32 @!p1 s15, $0xE  }
0x19: {  	s19 =	simm.s32 @!p1 $0x80;
	s17 =	sadd.s32 @!p1 s16, s6;
	s15 =	sand.u32 @!p1 $0x4000, s15  }
0x1a: {  	[tilespmem:s15], [sflag:$0x1] =	stream.strided.gather @!p1 [hbm4b:s17+s18], $0x2000, s19, s18, $0x38;
	[tilespmem:$0x10100] =	vst v63  }
0x1b: {  	s31 =	sadd.s32 $0xFFFFFFFF, s12;
	s16 =	sadd.s32 @!p1 s16, s7;
	s15 =	sor.u32 @!p1 $0x2000, s15  }
0x1c: {  	[tilespmem:s15], [sflag:$0x1] =	stream.strided.gather @!p1 [hbm4b:s16+s18], $0x2000, s19, s18, $0x38;
	[tilespmem:$0x10100] =	vst v63  }
0x1d: {  	p1 =	sge.u32 s31, s5  }
.Ltmp2:
0x1e: {  	_ = 	snop;
	(pc) =	sbr.rel @p1 .LBB1_7-.Ltmp2, $1  }
0x1f: {  	_ =	sdelay $0x3  }
0x20: {  	s15 =	simm.s32 $0x1;
	s17 =	sand.u32 $0x1, s12  }
0x21: {  	_ =	swait.ge [sflag:s4], $0x4000;
	s15 =	simm.s32 @!p0 $0x0;
	s17 =	smul.u32 $0x10200, s17  }
0x22: {  	p2 =	por $0x1, $0x1;
	[sflag:s4] =	ssyncset.done $0x0;
	s16 =	smul.u32 $0x10200, s15  }
0x23: {  	s18 =	sshll.u32 s15, $0x10;
	[sflag:s4] =	ssyncadd.s32 $0xFFFFC000;
	s30 =	sshrl.u32 s17, $0x2  }
0x24: {  	s31 =	sshrl.u32 s18, $0x2;
	s18 =	simm.s32 $0x0;
	s16 =	sshrl.u32 s16, $0x2  }
0x25: {  	s15 =	sor.u32 $0x8000, s30;
	s17 =	sadd.s32 $0x20, s31;
	s16 =	sor.u32 $0x8000, s16  }
.LBB1_3:
0x26: {  	s19 =	sshll.u32 s18, $0xD  }
0x27: {  	s19 =	sand.u32 $0x3FFFE000, s19  }
0x28: {  	s21 =	sadd.s32 s19, s17  }
0x29: {  	s31 =	smul.u32 $0x8100, s18;
	v3 =	vld [tilespmem:s21+$0x10]  }
0x2a: {  	v1 =	vld [tilespmem:s21+$0xFFFFFFF0]  }
0x2b: {  	s18 =	sshra.s32 s31, $0x2;
	v0 =	vld [tilespmem:s21+$0x0]  }
0x2c: {  	s18 =	sadd.s32 s18, s16;
	v2 =	vld [tilespmem:s21+$0xFFFFFFE0]  }
0x2d: {  	s19 =	sadd.s32 $0x0, s18  }
0x2e: {  	p1 =	por p2, p2;
	s20 =	simm.s32 $0x4;
	s21 =	sadd.s32 $0x40, s21;
	[tilespmem:s19+$0x1830 ss:$0x81] =	vst.msk $0xffff, v3  }
.LBB1_4:
0x2f: {  	v3 =	vld [tilespmem:s21+$0x10];
	p2 =	sne.s32 s20, $0x1FC;
	[tilespmem:s19+$0x810 ss:$0x81] =	vst.msk $0xffff, v1;
	s22 =	smov.u32 s20;
	s20 =	sadd.s32 $0x4, s20  }
.Ltmp3:
0x30: {  	v1 =	vld [tilespmem:s21+$0xFFFFFFF0];
	[tilespmem:s19+$0x1020 ss:$0x81] =	vst.msk $0xffff, v0;
	(pc) =	sbr.rel @p2 .LBB1_4-.Ltmp3, $4  }
0x31: {  	v0 =	vld [tilespmem:s21+$0x0];
	[tilespmem:s19+$0x0 ss:$0x81] =	vst.msk $0xffff, v2  }
0x32: {  	s19 =	sshra.s32 s22, $0x2;
	v2 =	vld [tilespmem:s21+$0xFFFFFFE0]  }
0x33: {  	s19 =	sadd.s32 s19, s18  }
0x34: {  	s21 =	sadd.s32 $0x40, s21;
	[tilespmem:s19+$0x1830 ss:$0x81] =	vst.msk $0xffff, v3  }
.Ltmp4:
0x35: {  	(pc) =	sbr.rel @p1 .LBB1_3-.Ltmp4, $4  }
0x36: {  	_ = 	snop  }
0x37: {  	[tilespmem:s19+$0x810 ss:$0x81] =	vst.msk $0xffff, v1  }
0x38: {  	[tilespmem:s19+$0x1020 ss:$0x81] =	vst.msk $0xffff, v0  }
0x39: {  	s18 =	simm.s32 $0x1;
	p2 =	por $0x0, $0x0;
	[tilespmem:s19+$0x0 ss:$0x81] =	vst.msk $0xffff, v2  }
.Ltmp5:
0x3a: {  	(pc) =	sbr.rel .LBB1_7-.Ltmp5, $4  }
0x3b: {  	s14 =	sshll.u32 s14, $0xF  }
0x3c: {  	s14 =	sadd.s32 s3, s14  }
0x3d: {  	s13 =	sadd.s32 s13, s14  }
0x3e: {  	[hbm4b:s13+s9] =	stream.strided.scatter [tilespmem:s15], [sflag:$0x2], $0x4000, s10, s9, $0x20;
	[tilespmem:$0x10100] =	vst v63  }
.LBB1_8:
0x3f: {  	_ =	sfence.sel $0x180000  }
0x40: {  	s2 =	simm.s32 $0x1;
	[bflag:$0x0] =	sbarrier.arrive $0xFFFF  }
0x41: {  	s31 =	simm.s32 $0x2;
	[sflag:s2] =	ssyncpa.u1 $0x1  }
0x42: {  	[sflag:s31] =	ssyncpa.u1 $0x1  }
0x43: {  	p0 =	sne.s32 s0, $0x0;
	_ =	strace $0x9000004A  }
0x44: {  	s0 =	sadd.s32 @!p0 $0x100000, s1;
	[bflag:$0x2] =	sbarrier.arrive $0xFFFF  }
0x45: {  	[sflag:s0] =	ssyncadd.tile.s32 @!p0 $0x1;
	_ =	shalt  }
.Lfunc_end1:
_tile_overlayer_lowered:
.L_overlay_start_2:
0x46: {  	(tag) =	ssettag $0x2  }
0x47: {  	s0 =	rddreg [dreg:$0x0];
	s2 =	stileid.u32  }
0x48: {  	s1 =	rddreg [dreg:$0x1];
	p0 =	sne.s32 s2, $0x0  }
0x49: {  	s3 =	rddreg [dreg:$0x2];
	[bflag:$0x3] =	sbarrier.arrive $0xFFFF;
	s2 =	simm.s32 @!p0 $0x1C01  }
0x4a: {  	[timem:s3], [sflag:s2] =	dma.local @!p0 [hbm:s0], s1  }
0x4b: {  	s0 =	simm.s32 @!p0 $0x1  }
0x4c: {  	_ =	swait.ge @!p0 [sflag:s0], s1  }
0x4d: {  	s1 =	ssub.s32 @!p0 $0x0, s1;
	[sflag:s0] =	ssyncset.done @!p0 $0x0  }
0x4e: {  	[sflag:s0] =	ssyncadd.s32 @!p0 s1  }
0x4f: {  	[bflag:$0x3] =	sbarrier.arrive $0xFFFF  }
0x50: {  	_ =	shalt  }

// kernel: sparse-core-data-format-call.cloned.1.call-start
scs
called_computation_lowered:
.L_overlay_start_0:
0x0: {  	s2 =	sld [smem:$0x3FD9]  }
0x1: {  	s3 =	sld [smem:$0x3FFE];
	_ =	sdelay $0x1  }
0x2: {  	s1 =	srdreg.scid  }
0x3: {  	s0 =	sand.u32 $0x1, s1  }
0x4: {  	s16 =	sshll.u32 s0, $0xA;
	s2 =	sadd.s32 s3, s2  }
0x5: {  	s2 =	sadd.s32 s2, s16  }
0x6: {  	[smem:$0x3FC5] =	sst s2  }
0x7: {  	_ = 	snop  }
0x8: {  	s2 =	sld [smem:$0x3FD0];
	_ =	sdelay $0x2  }
0x9: {  	s17 =	simm.s32 $0xB;
	s4 =	simm.s32 $0x10  }
0xa: {  	[smem:s4], [sflag:s17] =	dma.local [hbm:s2], $0x1  }
0xb: {  	_ =	swait.eq [sflag:s17], $0x1  }
0xc: {  	[sflag:s17] =	ssyncset.done $0x0  }
0xd: {  	[sflag:s17] =	ssyncadd.s32 $0xFFFFFFFF  }
0xe: {  	s18 =	sld [smem:$0x11];
	(tm) =	ssettm $0x1  }
0xf: {  	s19 =	sld [smem:$0x3FFB];
	_ =	sdelay $0x3  }
0x10: {  	_ =	strace s19  }
0x11: {  	s2 =	sld [smem:$0x3FFC];
	_ =	sdelay $0x3  }
0x12: {  	_ =	strace s2  }
0x13: {  	s2 =	sld [smem:$0x3FFD];
	_ =	sdelay $0x3  }
0x14: {  	_ =	strace s2  }
0x15: {  	_ =	strace $0x8FFFFFFF  }
0x16: {  	s20 =	sld [smem:$0x3FDB];
	_ =	sdelay $0x1  }
0x17: {  	s21 =	simm.s32 $_scs_section_size  }
0x18: {  	s5 =	simm.s32 $_size__tile_overlayer_lowered;
	s6 =	simm.s32 $_tile_overlayer_lowered  }
0x19: {  	s7 =	simm.s32 $0x1BFF;
	s22 =	sshll.u32 s6, $0x1;
	s4 =	sadd.s32 s21, s20  }
0x1a: {  	s23 =	simm.s32 $0x0;
	s5 =	sshll.u32 s5, $0x1;
	s6 =	sadd.s32 s22, s4  }
0x1b: {  	[timem:s23], [sflag:s7] =	dma.local [hbm:s6], s5  }
0x1c: {  	_ =	swait.ge [sflag:s7], s5  }
0x1d: {  	s5 =	ssub.s32 $0x0, s5;
	[sflag:s7] =	ssyncset.done $0x0  }
0x1e: {  	[sflag:s7] =	ssyncadd.s32 s5;
	_ =	sdelay $0x1  }
0x1f: {  	s24 =	simm.s32 $0x1B8B  }
0x20: {  	_ =	swait.ge [sflag:s24], $0x1  }
0x21: {  	[sflag:s24] =	ssyncset.done $0x0  }
0x22: {  	[sflag:s24] =	ssyncadd.s32 $0xFFFFFFFF  }
0x23: {  	s5 =	sld [smem:$0x0]  }
0x24: {  	s6 =	sand.u32 $0xFFFFFFFE, s1  }
0x25: {  	p0 =	sne.s32 s1, s6  }
0x26: {  	s6 =	sshll.u32 @p0 s6, $0xE  }
0x27: {  	s6 =	sadd.s32 @p0 $0x11B8D, s6;
	s7 =	sshll.u32 @p0 s5, $0x11  }
0x28: {  	s6 =	sor.u32 @p0 s7, s6  }
0x29: {  	[sflag:s6] =	ssyncadd.remote.s32 @p0 $0x1;
	_ =	sdelay $0x1  }
0x2a: {  	s6 =	simm.s32 @p0 $0x1B8D  }
0x2b: {  	_ =	swait.eq @p0 [sflag:s6], $0x1  }
0x2c: {  	[sflag:s6] =	ssyncadd.s32 @p0 $0xFFFFFFFF  }
0x2d: {  	s7 =	sshll.u32 @!p0 s1, $0xE  }
0x2e: {  	s7 =	sor.u32 @!p0 $0x4000, s7;
	s6 =	simm.s32 @!p0 $0x1B8D  }
0x2f: {  	s5 =	sshll.u32 @!p0 s5, $0x11;
	s7 =	sadd.s32 @!p0 $0x11B8D, s7;
	_ =	swait.eq @!p0 [sflag:s6], $0x1  }
0x30: {  	s5 =	sor.u32 @!p0 s5, s7;
	[sflag:s6] =	ssyncadd.s32 @!p0 $0xFFFFFFFF  }
0x31: {  	s26 =	simm.s32 $0x1B8E;
	s25 =	sld [smem:$0x3FFE];
	[sflag:s5] =	ssyncadd.remote.s32 @!p0 $0x1  }
0x32: {  	s27 =	simm.s32 $execute0_lowered;
	[smem:$0x3FD2] =	sst s26  }
0x33: {  	s6 =	sshll.u32 s27, $0x1;
	_ =	strace $0x8000004C;
	[dreg:$0x1] =	wrdreg $0xFFFFFFFF  }
0x34: {  	s28 =	simm.s32 $_size_execute0_lowered;
	s4 =	sadd.s32 s4, s6;
	[dreg:$0x0] =	wrdreg $0x0  }
0x35: {  	s6 =	sshll.u32 s28, $0x1;
	[dreg:$0x2] =	wrdreg s4  }
0x36: {  	[dreg:$0x3] =	wrdreg s6  }
0x37: {  	[dreg:$0x4] =	wrdreg $0xC0  }
0x38: {  	_ =	task [dreg:s23], $0x5FFFF  }
0x39: {  	[dreg:$0x1] =	wrdreg $0xFFFFFFFF  }
0x3a: {  	[dreg:$0x0] =	wrdreg $0x60  }
0x3b: {  	[dreg:$0x2] =	wrdreg s25  }
0x3c: {  	[dreg:$0x3] =	wrdreg s18  }
0x3d: {  	[dreg:$0x4] =	wrdreg $0x9  }
0x3e: {  	_ =	task.clear_ibuf [dreg:s23], $0x5FFFF;
	_ =	strace $0x9000004C  }
0x3f: {  	s29 =	simm.s32 $0x9;
	_ =	strace $0x8000004E  }
0x40: {  	_ =	swait.ge [sflag:s29], $0x1  }
0x41: {  	[sflag:s29] =	ssyncadd.s32 $0xFFFFFFFF  }
0x42: {  	_ =	strace $0x9000004E  }
0x43: {  	_ =	sfence  }
0x44: {  	s30 =	sld [smem:$0x0];
	_ =	sdelay $0x2  }
0x45: {  	s31 =	sshll.u32 s1, $0xD;
	s1 =	sshrl.u32 s1, $0x2  }
0x46: {  	s4 =	sand.u32 $0x4000, s31;
	s1 =	sadd.s32 s1, s30  }
0x47: {  	s0 =	sor.u32 s4, s0;
	s1 =	sshll.u32 s1, $0x11  }
0x48: {  	s0 =	sor.u32 s1, s0  }
0x49: {  	s0 =	sadd.s32 $0x8F2B, s0  }
0x4a: {  	[sflag:s0] =	ssyncadd.remote.s32 $0x1  }
0x4b: {  	_ =	sfence.sel $0xFFFF  }
0x4c: {  	[dreg:$0x0] =	wrdreg $0xFFFFFFFF;
	(pc) =	sbr.abs _section_cstart, $3  }
0x4d: {  	[dreg:$0x1] =	wrdreg $0xFFFFFFFF  }
0x4e: {  	_ =	task.clear_ibuf [dreg:s23], $0x2FFFF;
	_ =	strace $0x9FFFFFFF  }
0x4f: {  	(tm) =	ssettm $0x7FFFFFFF  }
tec
execute0_lowered:
.L_overlay_start_1:
0x0: {  	(tag) =	ssettag $0x1  }
0x1: {  	s0 =	srdreg.scid  }
0x2: {  	s1 =	sshll.u32 s0, $0x4  }
0x3: {  	s5 =	rddreg [dreg:$0x0];
	s0 =	stileid.u32;
	s1 =	sand.u32 $0x10, s1  }
0x4: {  	s3 =	rddreg [dreg:$0x1];
	s31 =	simm.s32 $0x2;
	s4 =	sor.u32 s0, s1  }
0x5: {  	s13 =	simm.s32 $0x0;
	s9 =	simm.s32 $0x400;
	s2 =	sshll.u32 s4, $0x7  }
0x6: {  	s10 =	simm.s32 $0x8000;
	s14 =	simm.s32 $0x0;
	s6 =	ssub.s32 $0x1000, s2  }
0x7: {  	s1 =	rddreg [dreg:$0x2];
	_ =	strace $0x8000004D;
	s7 =	sand.u32 $0xF80, s6  }
0x8: {  	s4 =	sshll.u32 s4, $0xB;
	p0 =	sne.s32 s7, $0x0;
	s7 =	simm.s32 $0x1  }
.Ltmp0:
0x9: {  	s6 =	sshrl.u32 s6, $0xC;
	s7 =	simm.s32 @!p0 $0x0;
	(pc) =	sbr.rel .LBB1_1-.Ltmp0, $4  }
0xa: {  	s8 =	sadd.s32 s4, s5;
	s4 =	simm.s32 $0x1;
	s30 =	sadd.s32 s7, s6  }
0xb: {  	s11 =	simm.s32 $0x0;
	[sflag:s4] =	ssyncpa.u1 $0x0;
	s5 =	smul.u32 $0x19, s30  }
0xc: {  	s12 =	simm.s32 $0x0;
	[sflag:s31] =	ssyncpa.u1 $0x0;
	p0 =	por $0x0, $0x0  }
0xd: {  	s6 =	sadd.s32 $0x321400, s8;
	s7 =	sadd.s32 $0x331400, s8;
	s8 =	sadd.s32 $0x1, s5  }
.LBB1_7:
0xe: {  	s15 =	sadd.s32 $0x2, s11  }
0xf: {  	p2 =	sgt.s32 s15, $0x31  }
0x10: {  	s15 =	simm.s32 @p2 $0x0;
	p2 =	sne.s32 s12, s8  }
.Ltmp1:
0x11: {  	p1 =	slt.u32 s12, $0x2;
	(pc) =	sbr.rel @!p2 .LBB1_8-.Ltmp1, $4  }
0x12: {  	s13 =	simm.s32 @!p1 $0x2  }
0x13: {  	s16 =	sadd.s32 $0x1, s12;
	s14 =	smov.u32 s11;
	_ =	swait.ge @!p1 [sflag:s13], $0x4000  }
0x14: {  	p0 =	por !p0, !p0;
	s12 =	smov.u32 s16;
	[sflag:s13] =	ssyncset.done @!p1 $0x0  }
0x15: {  	s11 =	smov.u32 s15;
	[sflag:s13] =	ssyncadd.s32 @!p1 $0xFFFFC000;
	s13 =	smov.u32 s2  }
.LBB1_1:
0x16: {  	p1 =	sge.u32 s12, s5  }
0x17: {  	s15 =	sxor.u32 @!p1 $0xFFFFFFFF, s12  }
0x18: {  	s16 =	sshll.u32 @!p1 s11, $0x10;
	s18 =	simm.s32 @!p1 $0x40;
	s15 =	sshll.u32 @!p1 s15, $0xE  }
0x19: {  	s19 =	simm.s32 @!p1 $0x80;
	s17 =	sadd.s32 @!p1 s16, s6;
	s15 =	sand.u32 @!p1 $0x4000, s15  }
0x1a: {  	[tilespmem:s15], [sflag:$0x1] =	stream.strided.gather @!p1 [hbm4b:s17+s18], $0x2000, s19, s18, $0x38;
	[tilespmem:$0x10100] =	vst v63  }
0x1b: {  	s31 =	sadd.s32 $0xFFFFFFFF, s12;
	s16 =	sadd.s32 @!p1 s16, s7;
	s15 =	sor.u32 @!p1 $0x2000, s15  }
0x1c: {  	[tilespmem:s15], [sflag:$0x1] =	stream.strided.gather @!p1 [hbm4b:s16+s18], $0x2000, s19, s18, $0x38;
	[tilespmem:$0x10100] =	vst v63  }
0x1d: {  	p1 =	sge.u32 s31, s5  }
.Ltmp2:
0x1e: {  	_ = 	snop;
	(pc) =	sbr.rel @p1 .LBB1_7-.Ltmp2, $1  }
0x1f: {  	_ =	sdelay $0x3  }
0x20: {  	s15 =	simm.s32 $0x1;
	s17 =	sand.u32 $0x1, s12  }
0x21: {  	_ =	swait.ge [sflag:s4], $0x4000;
	s15 =	simm.s32 @!p0 $0x0;
	s17 =	smul.u32 $0x10200, s17  }
0x22: {  	p2 =	por $0x1, $0x1;
	[sflag:s4] =	ssyncset.done $0x0;
	s16 =	smul.u32 $0x10200, s15  }
0x23: {  	s18 =	sshll.u32 s15, $0x10;
	[sflag:s4] =	ssyncadd.s32 $0xFFFFC000;
	s30 =	sshrl.u32 s17, $0x2  }
0x24: {  	s31 =	sshrl.u32 s18, $0x2;
	s18 =	simm.s32 $0x0;
	s16 =	sshrl.u32 s16, $0x2  }
0x25: {  	s15 =	sor.u32 $0x8000, s30;
	s17 =	sadd.s32 $0x20, s31;
	s16 =	sor.u32 $0x8000, s16  }
.LBB1_3:
0x26: {  	s19 =	sshll.u32 s18, $0xD  }
0x27: {  	s19 =	sand.u32 $0x3FFFE000, s19  }
0x28: {  	s21 =	sadd.s32 s19, s17  }
0x29: {  	s31 =	smul.u32 $0x8100, s18;
	v3 =	vld [tilespmem:s21+$0x10]  }
0x2a: {  	v1 =	vld [tilespmem:s21+$0xFFFFFFF0]  }
0x2b: {  	s18 =	sshra.s32 s31, $0x2;
	v0 =	vld [tilespmem:s21+$0x0]  }
0x2c: {  	s18 =	sadd.s32 s18, s16;
	v2 =	vld [tilespmem:s21+$0xFFFFFFE0]  }
0x2d: {  	s19 =	sadd.s32 $0x0, s18  }
0x2e: {  	p1 =	por p2, p2;
	s20 =	simm.s32 $0x4;
	s21 =	sadd.s32 $0x40, s21;
	[tilespmem:s19+$0x1830 ss:$0x81] =	vst.msk $0xffff, v3  }
.LBB1_4:
0x2f: {  	v3 =	vld [tilespmem:s21+$0x10];
	p2 =	sne.s32 s20, $0x1FC;
	[tilespmem:s19+$0x810 ss:$0x81] =	vst.msk $0xffff, v1;
	s22 =	smov.u32 s20;
	s20 =	sadd.s32 $0x4, s20  }
.Ltmp3:
0x30: {  	v1 =	vld [tilespmem:s21+$0xFFFFFFF0];
	[tilespmem:s19+$0x1020 ss:$0x81] =	vst.msk $0xffff, v0;
	(pc) =	sbr.rel @p2 .LBB1_4-.Ltmp3, $4  }
0x31: {  	v0 =	vld [tilespmem:s21+$0x0];
	[tilespmem:s19+$0x0 ss:$0x81] =	vst.msk $0xffff, v2  }
0x32: {  	s19 =	sshra.s32 s22, $0x2;
	v2 =	vld [tilespmem:s21+$0xFFFFFFE0]  }
0x33: {  	s19 =	sadd.s32 s19, s18  }
0x34: {  	s21 =	sadd.s32 $0x40, s21;
	[tilespmem:s19+$0x1830 ss:$0x81] =	vst.msk $0xffff, v3  }
.Ltmp4:
0x35: {  	(pc) =	sbr.rel @p1 .LBB1_3-.Ltmp4, $4  }
0x36: {  	_ = 	snop  }
0x37: {  	[tilespmem:s19+$0x810 ss:$0x81] =	vst.msk $0xffff, v1  }
0x38: {  	[tilespmem:s19+$0x1020 ss:$0x81] =	vst.msk $0xffff, v0  }
0x39: {  	s18 =	simm.s32 $0x1;
	p2 =	por $0x0, $0x0;
	[tilespmem:s19+$0x0 ss:$0x81] =	vst.msk $0xffff, v2  }
.Ltmp5:
0x3a: {  	(pc) =	sbr.rel .LBB1_7-.Ltmp5, $4  }
0x3b: {  	s14 =	sshll.u32 s14, $0xF  }
0x3c: {  	s14 =	sadd.s32 s3, s14  }
0x3d: {  	s13 =	sadd.s32 s13, s14  }
0x3e: {  	[hbm4b:s13+s9] =	stream.strided.scatter [tilespmem:s15], [sflag:$0x2], $0x4000, s10, s9, $0x20;
	[tilespmem:$0x10100] =	vst v63  }
.LBB1_8:
0x3f: {  	_ =	sfence.sel $0x180000  }
0x40: {  	s2 =	simm.s32 $0x1;
	[bflag:$0x0] =	sbarrier.arrive $0xFFFF  }
0x41: {  	s31 =	simm.s32 $0x2;
	[sflag:s2] =	ssyncpa.u1 $0x1  }
0x42: {  	[sflag:s31] =	ssyncpa.u1 $0x1  }
0x43: {  	p0 =	sne.s32 s0, $0x0;
	_ =	strace $0x9000004D  }
0x44: {  	s0 =	sadd.s32 @!p0 $0x100000, s1;
	[bflag:$0x2] =	sbarrier.arrive $0xFFFF  }
0x45: {  	[sflag:s0] =	ssyncadd.tile.s32 @!p0 $0x1;
	_ =	shalt  }
.Lfunc_end1:
_tile_overlayer_lowered:
.L_overlay_start_2:
0x46: {  	(tag) =	ssettag $0x2  }
0x47: {  	s0 =	rddreg [dreg:$0x0];
	s2 =	stileid.u32  }
0x48: {  	s1 =	rddreg [dreg:$0x1];
	p0 =	sne.s32 s2, $0x0  }
0x49: {  	s3 =	rddreg [dreg:$0x2];
	[bflag:$0x3] =	sbarrier.arrive $0xFFFF;
	s2 =	simm.s32 @!p0 $0x1C01  }
0x4a: {  	[timem:s3], [sflag:s2] =	dma.local @!p0 [hbm:s0], s1  }
0x4b: {  	s0 =	simm.s32 @!p0 $0x1  }
0x4c: {  	_ =	swait.ge @!p0 [sflag:s0], s1  }
0x4d: {  	s1 =	ssub.s32 @!p0 $0x0, s1;
	[sflag:s0] =	ssyncset.done @!p0 $0x0  }
0x4e: {  	[sflag:s0] =	ssyncadd.s32 @!p0 s1  }
0x4f: {  	[bflag:$0x3] =	sbarrier.arrive $0xFFFF  }
0x50: {  	_ =	shalt  }

</sc_bundles>
